<compile_context>
chip_gen: v7x
topology: tpu7x:2x2x1
jax: 0.10.2.dev20260603
libtpu: 0.0.44.dev20260713+nightly
codegen_flags: <defaults>
</compile_context>

<pallas_src>
import jax
import jax.numpy as jnp
from jax import lax
from jax.experimental import pallas as pl
from jax.experimental.pallas import tpu as pltpu
from jax.experimental.pallas import tpu_sc as plsc

NUM_EMB = 100000
DIM = 128
TOTAL = 4096 * 200
NC, NS = 2, 16
NW = NC * NS
PER_W = TOTAL // NW
CHUNK = 128
NCHUNK = PER_W // CHUNK
NBUF = 5
LA = 3


def _body(ids_hbm, table_hbm, out_hbm, idx_v, bufs, gsem, osem):
    wid = lax.axis_index("s") * NC + lax.axis_index("c")
    ibase = wid * NCHUNK
    obase = wid * PER_W

    pltpu.sync_copy(ids_hbm.at[pl.ds(ibase, NCHUNK)], idx_v)

    def start_gather(j, b):
        pltpu.async_copy(table_hbm.at[idx_v.at[j]], bufs[b], gsem.at[b])

    def start_out(j, b):
        pltpu.async_copy(bufs[b], out_hbm.at[pl.ds(obase + j * CHUNK, CHUNK)],
                         osem.at[b])

    def wait_gather(b):
        pltpu.make_async_copy(table_hbm.at[idx_v.at[0]], bufs[b],
                              gsem.at[b]).wait()

    def wait_out(b):
        pltpu.make_async_copy(bufs[b], out_hbm.at[pl.ds(obase, CHUNK)],
                              osem.at[b]).wait()

    for b in range(LA):
        start_gather(b, b)

    @pl.loop(0, NCHUNK, step=NBUF)
    def _(g):
        for b in range(NBUF):
            j = g + b
            jn = j + LA
            bn = (b + LA) % NBUF

            @pl.when(jn < NCHUNK)
            def _():
                @pl.when(jn >= NBUF)
                def _():
                    wait_out(bn)
                start_gather(jn, bn)

            wait_gather(b)
            start_out(j, b)

    for b in range(NBUF):
        wait_out(b)


@jax.jit
def _embed(ids_flat, table):
    k = pl.kernel(
        _body,
        out_type=jax.ShapeDtypeStruct((TOTAL, DIM), jnp.float32),
        mesh=plsc.VectorSubcoreMesh(core_axis_name="c", subcore_axis_name="s",
                                    num_cores=NC, num_subcores=NS),
        scratch_types=[
            pltpu.VMEM((NCHUNK, CHUNK), jnp.int32),
            [pltpu.VMEM((CHUNK, DIM), jnp.float32)
             for _ in range(NBUF)],
            pltpu.SemaphoreType.DMA((NBUF,)),
            pltpu.SemaphoreType.DMA((NBUF,)),
        ],
    )
    return k(ids_flat, table)


def kernel(token_ids, weight):
    ids_flat = token_ids.astype(jnp.int32).reshape(NW * NCHUNK, CHUNK)
    out = _embed(ids_flat, weight)
    return out.reshape(token_ids.shape + (DIM,))

# --- scband reference (transcript-rebuilt; emitter-appended) ---
"""Pipeline reference for scband-embedding-40089224741220 (READ-ONLY COPY).

The authoritative reference and input builder live on the scoring server;
editing this copy changes nothing except your own understanding.
"""

import jax, jax.numpy as jnp
import numpy as np

NUM_EMBEDDINGS = 100000
EMBEDDING_DIM = 128
BATCH = 4096
HIST_LEN = 200


def setup_inputs(seed: int = 0) -> dict:
    key = jax.random.key(seed)
    k_idx, k_w = jax.random.split(key)
    token_ids = jax.random.randint(k_idx, (BATCH, HIST_LEN), 0, NUM_EMBEDDINGS, dtype=jnp.int64 if jax.config.jax_enable_x64 else jnp.int32)
    # trunc_normal_(mean=0.0, std=0.01): truncated at +/- 2 std by torch default
    w = jax.random.truncated_normal(k_w, -2.0, 2.0, (NUM_EMBEDDINGS, EMBEDDING_DIM), dtype=jnp.float32) * 0.01
    return {"token_ids": token_ids, "weight": w}


def reference(token_ids, weight):
    # Faithful translation of: self.weight[indices]
    return jnp.take(weight, token_ids, axis=0)

if __name__ == "__main__":
    import jax
    _d = setup_inputs()
    print(jax.jit(kernel)(*tuple(_d.values())))

</pallas_src>

<mosaic_0001>
#map = affine_map<(d0, d1) -> (0, 0)>
module attributes {stable_mosaic.version = 14 : i64} {
  func.func @_body(%arg0: i32, %arg1: i32, %arg2: memref<6400x128xi32, #tpu.memory_space<hbm>>, %arg3: memref<100000x128xf32, #tpu.memory_space<hbm>>, %arg4: memref<819200x128xf32, #tpu.memory_space<hbm>>, %arg5: memref<200x128xi32, #tpu.memory_space<vmem>>, %arg6: memref<128x128xf32, #tpu.memory_space<vmem>>, %arg7: memref<128x128xf32, #tpu.memory_space<vmem>>, %arg8: memref<128x128xf32, #tpu.memory_space<vmem>>, %arg9: memref<128x128xf32, #tpu.memory_space<vmem>>, %arg10: memref<128x128xf32, #tpu.memory_space<vmem>>, %arg11: memref<5x!tpu.dma_semaphore, #tpu.memory_space<semaphore_mem>>, %arg12: memref<5x!tpu.dma_semaphore, #tpu.memory_space<semaphore_mem>>) attributes {dimension_semantics = [#tpu.dimension_semantics<core_parallel>, #tpu.dimension_semantics<subcore_parallel>], iteration_bounds = array<i64: 2, 16>, scalar_prefetch = 0 : i64, scratch_operands = 8 : i64, tpu.core_type = #tpu.core_type<sc_vector_subcore>, window_params = [{transform_indices = #map}, {transform_indices = #map}, {transform_indices = #map}]} {
    %mul3A = arith.constant 2 : i32
    %mul3A_0 = arith.muli %arg1, %mul3A : i32
    %add3A = arith.addi %mul3A_0, %arg0 : i32
    %mul3A_1 = arith.constant 200 : i32
    %mul3A_2 = arith.muli %add3A, %mul3A_1 : i32
    %mul3A_3 = arith.constant 25600 : i32
    %mul3A_4 = arith.muli %add3A, %mul3A_3 : i32
    "tpu.region"() ({
      %run_scoped3A = tpu.sem_alloc : memref<!tpu.dma_semaphore, #tpu.memory_space<semaphore_mem>>
      %dma_start3A_72 = arith.constant 0 : i32
      %dma_start3A_73 = tpu.memref_slice %arg2[%mul3A_2, %dma_start3A_72] : memref<6400x128xi32, #tpu.memory_space<hbm>> -> memref<200x128xi32, #tpu.memory_space<hbm>>
      %dma_start3A_74 = arith.constant 0 : i32
      %dma_start3A_75 = tpu.memref_slice %arg2[%mul3A_2, %dma_start3A_74] : memref<6400x128xi32, #tpu.memory_space<hbm>> -> memref<200x128xi32, #tpu.memory_space<hbm>>
      tpu.enqueue_dma source(%dma_start3A_75 : memref<200x128xi32, #tpu.memory_space<hbm>>) target(%arg5 : memref<200x128xi32, #tpu.memory_space<vmem>>) target_semaphore(%run_scoped3A : memref<!tpu.dma_semaphore, #tpu.memory_space<semaphore_mem>>)
      %dma_wait3A_76 = arith.constant 0 : i32
      %dma_wait3A_77 = tpu.memref_slice %arg2[%mul3A_2, %dma_wait3A_76] : memref<6400x128xi32, #tpu.memory_space<hbm>> -> memref<200x128xi32, #tpu.memory_space<hbm>>
      %dma_wait3A_78 = arith.constant 0 : i32
      %dma_wait3A_79 = tpu.memref_slice %arg2[%mul3A_2, %dma_wait3A_78] : memref<6400x128xi32, #tpu.memory_space<hbm>> -> memref<200x128xi32, #tpu.memory_space<hbm>>
      tpu.wait_dma2 semaphore(%run_scoped3A : memref<!tpu.dma_semaphore, #tpu.memory_space<semaphore_mem>>) src(%dma_wait3A_79 : memref<200x128xi32, #tpu.memory_space<hbm>>) dst(%arg5 : memref<200x128xi32, #tpu.memory_space<vmem>>)
      tpu.yield
    }) : () -> ()
    %dma_start3A = arith.constant 0 : i32
    %dma_start3A_5 = arith.constant 0 : i32
    %dma_start3A_6 = arith.constant 0 : i32
    %dma_start3A_7 = tpu.memref_slice %arg5[%dma_start3A, %dma_start3A_6] : memref<200x128xi32, #tpu.memory_space<vmem>> -> memref<1x128xi32, #tpu.memory_space<vmem>>
    %dma_start3A_8 = tpu.memref_squeeze %dma_start3A_7 : memref<1x128xi32, #tpu.memory_space<vmem>> -> memref<128xi32, #tpu.memory_space<vmem>>
    %dma_start3A_9 = arith.constant 0 : i32
    %dma_start3A_10 = arith.constant 0 : i32
    %dma_start3A_11 = tpu.memref_slice %arg3[%dma_start3A_9, %dma_start3A_10] : memref<100000x128xf32, #tpu.memory_space<hbm>> -> memref<100000x128xf32, #tpu.memory_space<hbm>>
    %dma_start3A_12 = tpu.memref_slice %arg11[%dma_start3A_5] : memref<5x!tpu.dma_semaphore, #tpu.memory_space<semaphore_mem>> -> memref<1x!tpu.dma_semaphore, #tpu.memory_space<semaphore_mem>>
    %dma_start3A_13 = tpu.memref_squeeze %dma_start3A_12 : memref<1x!tpu.dma_semaphore, #tpu.memory_space<semaphore_mem>> -> memref<!tpu.dma_semaphore, #tpu.memory_space<semaphore_mem>>
    tpu.enqueue_indirect_dma source(%dma_start3A_11 : memref<100000x128xf32, #tpu.memory_space<hbm>>) target(%arg6 : memref<128x128xf32, #tpu.memory_space<vmem>>) offsets(%dma_start3A_8 : memref<128xi32, #tpu.memory_space<vmem>>) semaphore(%dma_start3A_13 : memref<!tpu.dma_semaphore, #tpu.memory_space<semaphore_mem>>)
    %dma_start3A_14 = arith.constant 1 : i32
    %dma_start3A_15 = arith.constant 1 : i32
    %dma_start3A_16 = arith.constant 0 : i32
    %dma_start3A_17 = tpu.memref_slice %arg5[%dma_start3A_14, %dma_start3A_16] : memref<200x128xi32, #tpu.memory_space<vmem>> -> memref<1x128xi32, #tpu.memory_space<vmem>>
    %dma_start3A_18 = tpu.memref_squeeze %dma_start3A_17 : memref<1x128xi32, #tpu.memory_space<vmem>> -> memref<128xi32, #tpu.memory_space<vmem>>
    %dma_start3A_19 = arith.constant 0 : i32
    %dma_start3A_20 = arith.constant 0 : i32
    %dma_start3A_21 = tpu.memref_slice %arg3[%dma_start3A_19, %dma_start3A_20] : memref<100000x128xf32, #tpu.memory_space<hbm>> -> memref<100000x128xf32, #tpu.memory_space<hbm>>
    %dma_start3A_22 = tpu.memref_slice %arg11[%dma_start3A_15] : memref<5x!tpu.dma_semaphore, #tpu.memory_space<semaphore_mem>> -> memref<1x!tpu.dma_semaphore, #tpu.memory_space<semaphore_mem>>
    %dma_start3A_23 = tpu.memref_squeeze %dma_start3A_22 : memref<1x!tpu.dma_semaphore, #tpu.memory_space<semaphore_mem>> -> memref<!tpu.dma_semaphore, #tpu.memory_space<semaphore_mem>>
    tpu.enqueue_indirect_dma source(%dma_start3A_21 : memref<100000x128xf32, #tpu.memory_space<hbm>>) target(%arg7 : memref<128x128xf32, #tpu.memory_space<vmem>>) offsets(%dma_start3A_18 : memref<128xi32, #tpu.memory_space<vmem>>) semaphore(%dma_start3A_23 : memref<!tpu.dma_semaphore, #tpu.memory_space<semaphore_mem>>)
    %dma_start3A_24 = arith.constant 2 : i32
    %dma_start3A_25 = arith.constant 2 : i32
    %dma_start3A_26 = arith.constant 0 : i32
    %dma_start3A_27 = tpu.memref_slice %arg5[%dma_start3A_24, %dma_start3A_26] : memref<200x128xi32, #tpu.memory_space<vmem>> -> memref<1x128xi32, #tpu.memory_space<vmem>>
    %dma_start3A_28 = tpu.memref_squeeze %dma_start3A_27 : memref<1x128xi32, #tpu.memory_space<vmem>> -> memref<128xi32, #tpu.memory_space<vmem>>
    %dma_start3A_29 = arith.constant 0 : i32
    %dma_start3A_30 = arith.constant 0 : i32
    %dma_start3A_31 = tpu.memref_slice %arg3[%dma_start3A_29, %dma_start3A_30] : memref<100000x128xf32, #tpu.memory_space<hbm>> -> memref<100000x128xf32, #tpu.memory_space<hbm>>
    %dma_start3A_32 = tpu.memref_slice %arg11[%dma_start3A_25] : memref<5x!tpu.dma_semaphore, #tpu.memory_space<semaphore_mem>> -> memref<1x!tpu.dma_semaphore, #tpu.memory_space<semaphore_mem>>
    %dma_start3A_33 = tpu.memref_squeeze %dma_start3A_32 : memref<1x!tpu.dma_semaphore, #tpu.memory_space<semaphore_mem>> -> memref<!tpu.dma_semaphore, #tpu.memory_space<semaphore_mem>>
    tpu.enqueue_indirect_dma source(%dma_start3A_31 : memref<100000x128xf32, #tpu.memory_space<hbm>>) target(%arg8 : memref<128x128xf32, #tpu.memory_space<vmem>>) offsets(%dma_start3A_28 : memref<128xi32, #tpu.memory_space<vmem>>) semaphore(%dma_start3A_33 : memref<!tpu.dma_semaphore, #tpu.memory_space<semaphore_mem>>)
    %scan3A = arith.constant 0 : i32
    %scan3A_34 = arith.constant 40 : i32
    %scan3A_35 = arith.addi %scan3A, %scan3A_34 : i32
    %scan3A_36 = arith.constant 1 : i32
    scf.for %scan3A_72 = %scan3A to %scan3A_35 step %scan3A_36  : i32 {
      %mul3A_73 = arith.constant 5 : i32
      %mul3A_74 = arith.muli %scan3A_72, %mul3A_73 : i32
      %add3A_75 = arith.constant 0 : i32
      %add3A_76 = arith.addi %add3A_75, %mul3A_74 : i32
      %add3A_77 = arith.constant 0 : i32
      %add3A_78 = arith.addi %add3A_76, %add3A_77 : i32
      %add3A_79 = arith.constant 3 : i32
      %add3A_80 = arith.addi %add3A_78, %add3A_79 : i32
      %lt3A = arith.constant 200 : i32
      %lt3A_81 = arith.cmpi slt, %add3A_80, %lt3A : i32
      %convert_element_type3A = arith.extui %lt3A_81 : i1 to i32
      %cond3A = arith.constant 0 : i32
      %cond3A_82 = arith.cmpi ne, %convert_element_type3A, %cond3A : i32
      scf.if %cond3A_82 {
        %ge3A = arith.constant 5 : i32
        %ge3A_219 = arith.cmpi sge, %add3A_80, %ge3A : i32
        %convert_element_type3A_220 = arith.extui %ge3A_219 : i1 to i32
        %cond3A_221 = arith.constant 0 : i32
        %cond3A_222 = arith.cmpi ne, %convert_element_type3A_220, %cond3A_221 : i32
        scf.if %cond3A_222 {
          %dma_wait3A_232 = arith.constant 3 : i32
          %dma_wait3A_233 = arith.constant 0 : i32
          %dma_wait3A_234 = tpu.memref_slice %arg4[%mul3A_4, %dma_wait3A_233] : memref<819200x128xf32, #tpu.memory_space<hbm>> -> memref<128x128xf32, #tpu.memory_space<hbm>>
          %dma_wait3A_235 = tpu.memref_slice %arg12[%dma_wait3A_232] : memref<5x!tpu.dma_semaphore, #tpu.memory_space<semaphore_mem>> -> memref<1x!tpu.dma_semaphore, #tpu.memory_space<semaphore_mem>>
          %dma_wait3A_236 = tpu.memref_squeeze %dma_wait3A_235 : memref<1x!tpu.dma_semaphore, #tpu.memory_space<semaphore_mem>> -> memref<!tpu.dma_semaphore, #tpu.memory_space<semaphore_mem>>
          %dma_wait3A_237 = arith.constant 0 : i32
          %dma_wait3A_238 = tpu.memref_slice %arg4[%mul3A_4, %dma_wait3A_237] : memref<819200x128xf32, #tpu.memory_space<hbm>> -> memref<128x128xf32, #tpu.memory_space<hbm>>
          tpu.wait_dma2 semaphore(%dma_wait3A_236 : memref<!tpu.dma_semaphore, #tpu.memory_space<semaphore_mem>>) src(%arg9 : memref<128x128xf32, #tpu.memory_space<vmem>>) dst(%dma_wait3A_238 : memref<128x128xf32, #tpu.memory_space<hbm>>)
        } else {
        }
        %dma_start3A_223 = arith.constant 3 : i32
        %dma_start3A_224 = arith.constant 0 : i32
        %dma_start3A_225 = tpu.memref_slice %arg5[%add3A_80, %dma_start3A_224] : memref<200x128xi32, #tpu.memory_space<vmem>> -> memref<1x128xi32, #tpu.memory_space<vmem>>
        %dma_start3A_226 = tpu.memref_squeeze %dma_start3A_225 : memref<1x128xi32, #tpu.memory_space<vmem>> -> memref<128xi32, #tpu.memory_space<vmem>>
        %dma_start3A_227 = arith.constant 0 : i32
        %dma_start3A_228 = arith.constant 0 : i32
        %dma_start3A_229 = tpu.memref_slice %arg3[%dma_start3A_227, %dma_start3A_228] : memref<100000x128xf32, #tpu.memory_space<hbm>> -> memref<100000x128xf32, #tpu.memory_space<hbm>>
        %dma_start3A_230 = tpu.memref_slice %arg11[%dma_start3A_223] : memref<5x!tpu.dma_semaphore, #tpu.memory_space<semaphore_mem>> -> memref<1x!tpu.dma_semaphore, #tpu.memory_space<semaphore_mem>>
        %dma_start3A_231 = tpu.memref_squeeze %dma_start3A_230 : memref<1x!tpu.dma_semaphore, #tpu.memory_space<semaphore_mem>> -> memref<!tpu.dma_semaphore, #tpu.memory_space<semaphore_mem>>
        tpu.enqueue_indirect_dma source(%dma_start3A_229 : memref<100000x128xf32, #tpu.memory_space<hbm>>) target(%arg9 : memref<128x128xf32, #tpu.memory_space<vmem>>) offsets(%dma_start3A_226 : memref<128xi32, #tpu.memory_space<vmem>>) semaphore(%dma_start3A_231 : memref<!tpu.dma_semaphore, #tpu.memory_space<semaphore_mem>>)
      } else {
      }
      %dma_wait3A_83 = arith.constant 0 : i32
      %dma_wait3A_84 = arith.constant 0 : i32
      %dma_wait3A_85 = arith.constant 0 : i32
      %dma_wait3A_86 = tpu.memref_slice %arg5[%dma_wait3A_83, %dma_wait3A_85] : memref<200x128xi32, #tpu.memory_space<vmem>> -> memref<1x128xi32, #tpu.memory_space<vmem>>
      %dma_wait3A_87 = tpu.memref_squeeze %dma_wait3A_86 : memref<1x128xi32, #tpu.memory_space<vmem>> -> memref<128xi32, #tpu.memory_space<vmem>>
      %dma_wait3A_88 = arith.constant 0 : i32
      %dma_wait3A_89 = arith.constant 0 : i32
      %dma_wait3A_90 = tpu.memref_slice %arg3[%dma_wait3A_88, %dma_wait3A_89] : memref<100000x128xf32, #tpu.memory_space<hbm>> -> memref<100000x128xf32, #tpu.memory_space<hbm>>
      %dma_wait3A_91 = tpu.memref_slice %arg11[%dma_wait3A_84] : memref<5x!tpu.dma_semaphore, #tpu.memory_space<semaphore_mem>> -> memref<1x!tpu.dma_semaphore, #tpu.memory_space<semaphore_mem>>
      %dma_wait3A_92 = tpu.memref_squeeze %dma_wait3A_91 : memref<1x!tpu.dma_semaphore, #tpu.memory_space<semaphore_mem>> -> memref<!tpu.dma_semaphore, #tpu.memory_space<semaphore_mem>>
      tpu.wait_indirect_dma semaphore(%dma_wait3A_92 : memref<!tpu.dma_semaphore, #tpu.memory_space<semaphore_mem>>) src(%dma_wait3A_90 : memref<100000x128xf32, #tpu.memory_space<hbm>>) dst(%arg6 : memref<128x128xf32, #tpu.memory_space<vmem>>)
      %mul3A_93 = arith.constant 128 : i32
      %mul3A_94 = arith.muli %add3A_78, %mul3A_93 : i32
      %add3A_95 = arith.addi %mul3A_4, %mul3A_94 : i32
      %dma_start3A_96 = arith.constant 0 : i32
      %dma_start3A_97 = arith.constant 0 : i32
      %dma_start3A_98 = tpu.memref_slice %arg4[%add3A_95, %dma_start3A_97] : memref<819200x128xf32, #tpu.memory_space<hbm>> -> memref<128x128xf32, #tpu.memory_space<hbm>>
      %dma_start3A_99 = tpu.memref_slice %arg12[%dma_start3A_96] : memref<5x!tpu.dma_semaphore, #tpu.memory_space<semaphore_mem>> -> memref<1x!tpu.dma_semaphore, #tpu.memory_space<semaphore_mem>>
      %dma_start3A_100 = tpu.memref_squeeze %dma_start3A_99 : memref<1x!tpu.dma_semaphore, #tpu.memory_space<semaphore_mem>> -> memref<!tpu.dma_semaphore, #tpu.memory_space<semaphore_mem>>
      %dma_start3A_101 = arith.constant 0 : i32
      %dma_start3A_102 = tpu.memref_slice %arg4[%add3A_95, %dma_start3A_101] : memref<819200x128xf32, #tpu.memory_space<hbm>> -> memref<128x128xf32, #tpu.memory_space<hbm>>
      tpu.enqueue_dma source(%arg6 : memref<128x128xf32, #tpu.memory_space<vmem>>) target(%dma_start3A_102 : memref<128x128xf32, #tpu.memory_space<hbm>>) target_semaphore(%dma_start3A_100 : memref<!tpu.dma_semaphore, #tpu.memory_space<semaphore_mem>>)
      %add3A_103 = arith.constant 1 : i32
      %add3A_104 = arith.addi %add3A_76, %add3A_103 : i32
      %add3A_105 = arith.constant 3 : i32
      %add3A_106 = arith.addi %add3A_104, %add3A_105 : i32
      %lt3A_107 = arith.constant 200 : i32
      %lt3A_108 = arith.cmpi slt, %add3A_106, %lt3A_107 : i32
      %convert_element_type3A_109 = arith.extui %lt3A_108 : i1 to i32
      %cond3A_110 = arith.constant 0 : i32
      %cond3A_111 = arith.cmpi ne, %convert_element_type3A_109, %cond3A_110 : i32
      scf.if %cond3A_111 {
        %ge3A = arith.constant 5 : i32
        %ge3A_219 = arith.cmpi sge, %add3A_106, %ge3A : i32
        %convert_element_type3A_220 = arith.extui %ge3A_219 : i1 to i32
        %cond3A_221 = arith.constant 0 : i32
        %cond3A_222 = arith.cmpi ne, %convert_element_type3A_220, %cond3A_221 : i32
        scf.if %cond3A_222 {
          %dma_wait3A_232 = arith.constant 4 : i32
          %dma_wait3A_233 = arith.constant 0 : i32
          %dma_wait3A_234 = tpu.memref_slice %arg4[%mul3A_4, %dma_wait3A_233] : memref<819200x128xf32, #tpu.memory_space<hbm>> -> memref<128x128xf32, #tpu.memory_space<hbm>>
          %dma_wait3A_235 = tpu.memref_slice %arg12[%dma_wait3A_232] : memref<5x!tpu.dma_semaphore, #tpu.memory_space<semaphore_mem>> -> memref<1x!tpu.dma_semaphore, #tpu.memory_space<semaphore_mem>>
          %dma_wait3A_236 = tpu.memref_squeeze %dma_wait3A_235 : memref<1x!tpu.dma_semaphore, #tpu.memory_space<semaphore_mem>> -> memref<!tpu.dma_semaphore, #tpu.memory_space<semaphore_mem>>
          %dma_wait3A_237 = arith.constant 0 : i32
          %dma_wait3A_238 = tpu.memref_slice %arg4[%mul3A_4, %dma_wait3A_237] : memref<819200x128xf32, #tpu.memory_space<hbm>> -> memref<128x128xf32, #tpu.memory_space<hbm>>
          tpu.wait_dma2 semaphore(%dma_wait3A_236 : memref<!tpu.dma_semaphore, #tpu.memory_space<semaphore_mem>>) src(%arg10 : memref<128x128xf32, #tpu.memory_space<vmem>>) dst(%dma_wait3A_238 : memref<128x128xf32, #tpu.memory_space<hbm>>)
        } else {
        }
        %dma_start3A_223 = arith.constant 4 : i32
        %dma_start3A_224 = arith.constant 0 : i32
        %dma_start3A_225 = tpu.memref_slice %arg5[%add3A_106, %dma_start3A_224] : memref<200x128xi32, #tpu.memory_space<vmem>> -> memref<1x128xi32, #tpu.memory_space<vmem>>
        %dma_start3A_226 = tpu.memref_squeeze %dma_start3A_225 : memref<1x128xi32, #tpu.memory_space<vmem>> -> memref<128xi32, #tpu.memory_space<vmem>>
        %dma_start3A_227 = arith.constant 0 : i32
        %dma_start3A_228 = arith.constant 0 : i32
        %dma_start3A_229 = tpu.memref_slice %arg3[%dma_start3A_227, %dma_start3A_228] : memref<100000x128xf32, #tpu.memory_space<hbm>> -> memref<100000x128xf32, #tpu.memory_space<hbm>>
        %dma_start3A_230 = tpu.memref_slice %arg11[%dma_start3A_223] : memref<5x!tpu.dma_semaphore, #tpu.memory_space<semaphore_mem>> -> memref<1x!tpu.dma_semaphore, #tpu.memory_space<semaphore_mem>>
        %dma_start3A_231 = tpu.memref_squeeze %dma_start3A_230 : memref<1x!tpu.dma_semaphore, #tpu.memory_space<semaphore_mem>> -> memref<!tpu.dma_semaphore, #tpu.memory_space<semaphore_mem>>
        tpu.enqueue_indirect_dma source(%dma_start3A_229 : memref<100000x128xf32, #tpu.memory_space<hbm>>) target(%arg10 : memref<128x128xf32, #tpu.memory_space<vmem>>) offsets(%dma_start3A_226 : memref<128xi32, #tpu.memory_space<vmem>>) semaphore(%dma_start3A_231 : memref<!tpu.dma_semaphore, #tpu.memory_space<semaphore_mem>>)
      } else {
      }
      %dma_wait3A_112 = arith.constant 0 : i32
      %dma_wait3A_113 = arith.constant 1 : i32
      %dma_wait3A_114 = arith.constant 0 : i32
      %dma_wait3A_115 = tpu.memref_slice %arg5[%dma_wait3A_112, %dma_wait3A_114] : memref<200x128xi32, #tpu.memory_space<vmem>> -> memref<1x128xi32, #tpu.memory_space<vmem>>
      %dma_wait3A_116 = tpu.memref_squeeze %dma_wait3A_115 : memref<1x128xi32, #tpu.memory_space<vmem>> -> memref<128xi32, #tpu.memory_space<vmem>>
      %dma_wait3A_117 = arith.constant 0 : i32
      %dma_wait3A_118 = arith.constant 0 : i32
      %dma_wait3A_119 = tpu.memref_slice %arg3[%dma_wait3A_117, %dma_wait3A_118] : memref<100000x128xf32, #tpu.memory_space<hbm>> -> memref<100000x128xf32, #tpu.memory_space<hbm>>
      %dma_wait3A_120 = tpu.memref_slice %arg11[%dma_wait3A_113] : memref<5x!tpu.dma_semaphore, #tpu.memory_space<semaphore_mem>> -> memref<1x!tpu.dma_semaphore, #tpu.memory_space<semaphore_mem>>
      %dma_wait3A_121 = tpu.memref_squeeze %dma_wait3A_120 : memref<1x!tpu.dma_semaphore, #tpu.memory_space<semaphore_mem>> -> memref<!tpu.dma_semaphore, #tpu.memory_space<semaphore_mem>>
      tpu.wait_indirect_dma semaphore(%dma_wait3A_121 : memref<!tpu.dma_semaphore, #tpu.memory_space<semaphore_mem>>) src(%dma_wait3A_119 : memref<100000x128xf32, #tpu.memory_space<hbm>>) dst(%arg7 : memref<128x128xf32, #tpu.memory_space<vmem>>)
      %mul3A_122 = arith.constant 128 : i32
      %mul3A_123 = arith.muli %add3A_104, %mul3A_122 : i32
      %add3A_124 = arith.addi %mul3A_4, %mul3A_123 : i32
      %dma_start3A_125 = arith.constant 1 : i32
      %dma_start3A_126 = arith.constant 0 : i32
      %dma_start3A_127 = tpu.memref_slice %arg4[%add3A_124, %dma_start3A_126] : memref<819200x128xf32, #tpu.memory_space<hbm>> -> memref<128x128xf32, #tpu.memory_space<hbm>>
      %dma_start3A_128 = tpu.memref_slice %arg12[%dma_start3A_125] : memref<5x!tpu.dma_semaphore, #tpu.memory_space<semaphore_mem>> -> memref<1x!tpu.dma_semaphore, #tpu.memory_space<semaphore_mem>>
      %dma_start3A_129 = tpu.memref_squeeze %dma_start3A_128 : memref<1x!tpu.dma_semaphore, #tpu.memory_space<semaphore_mem>> -> memref<!tpu.dma_semaphore, #tpu.memory_space<semaphore_mem>>
      %dma_start3A_130 = arith.constant 0 : i32
      %dma_start3A_131 = tpu.memref_slice %arg4[%add3A_124, %dma_start3A_130] : memref<819200x128xf32, #tpu.memory_space<hbm>> -> memref<128x128xf32, #tpu.memory_space<hbm>>
      tpu.enqueue_dma source(%arg7 : memref<128x128xf32, #tpu.memory_space<vmem>>) target(%dma_start3A_131 : memref<128x128xf32, #tpu.memory_space<hbm>>) target_semaphore(%dma_start3A_129 : memref<!tpu.dma_semaphore, #tpu.memory_space<semaphore_mem>>)
      %add3A_132 = arith.constant 2 : i32
      %add3A_133 = arith.addi %add3A_76, %add3A_132 : i32
      %add3A_134 = arith.constant 3 : i32
      %add3A_135 = arith.addi %add3A_133, %add3A_134 : i32
      %lt3A_136 = arith.constant 200 : i32
      %lt3A_137 = arith.cmpi slt, %add3A_135, %lt3A_136 : i32
      %convert_element_type3A_138 = arith.extui %lt3A_137 : i1 to i32
      %cond3A_139 = arith.constant 0 : i32
      %cond3A_140 = arith.cmpi ne, %convert_element_type3A_138, %cond3A_139 : i32
      scf.if %cond3A_140 {
        %ge3A = arith.constant 5 : i32
        %ge3A_219 = arith.cmpi sge, %add3A_135, %ge3A : i32
        %convert_element_type3A_220 = arith.extui %ge3A_219 : i1 to i32
        %cond3A_221 = arith.constant 0 : i32
        %cond3A_222 = arith.cmpi ne, %convert_element_type3A_220, %cond3A_221 : i32
        scf.if %cond3A_222 {
          %dma_wait3A_232 = arith.constant 0 : i32
          %dma_wait3A_233 = arith.constant 0 : i32
          %dma_wait3A_234 = tpu.memref_slice %arg4[%mul3A_4, %dma_wait3A_233] : memref<819200x128xf32, #tpu.memory_space<hbm>> -> memref<128x128xf32, #tpu.memory_space<hbm>>
          %dma_wait3A_235 = tpu.memref_slice %arg12[%dma_wait3A_232] : memref<5x!tpu.dma_semaphore, #tpu.memory_space<semaphore_mem>> -> memref<1x!tpu.dma_semaphore, #tpu.memory_space<semaphore_mem>>
          %dma_wait3A_236 = tpu.memref_squeeze %dma_wait3A_235 : memref<1x!tpu.dma_semaphore, #tpu.memory_space<semaphore_mem>> -> memref<!tpu.dma_semaphore, #tpu.memory_space<semaphore_mem>>
          %dma_wait3A_237 = arith.constant 0 : i32
          %dma_wait3A_238 = tpu.memref_slice %arg4[%mul3A_4, %dma_wait3A_237] : memref<819200x128xf32, #tpu.memory_space<hbm>> -> memref<128x128xf32, #tpu.memory_space<hbm>>
          tpu.wait_dma2 semaphore(%dma_wait3A_236 : memref<!tpu.dma_semaphore, #tpu.memory_space<semaphore_mem>>) src(%arg6 : memref<128x128xf32, #tpu.memory_space<vmem>>) dst(%dma_wait3A_238 : memref<128x128xf32, #tpu.memory_space<hbm>>)
        } else {
        }
        %dma_start3A_223 = arith.constant 0 : i32
        %dma_start3A_224 = arith.constant 0 : i32
        %dma_start3A_225 = tpu.memref_slice %arg5[%add3A_135, %dma_start3A_224] : memref<200x128xi32, #tpu.memory_space<vmem>> -> memref<1x128xi32, #tpu.memory_space<vmem>>
        %dma_start3A_226 = tpu.memref_squeeze %dma_start3A_225 : memref<1x128xi32, #tpu.memory_space<vmem>> -> memref<128xi32, #tpu.memory_space<vmem>>
        %dma_start3A_227 = arith.constant 0 : i32
        %dma_start3A_228 = arith.constant 0 : i32
        %dma_start3A_229 = tpu.memref_slice %arg3[%dma_start3A_227, %dma_start3A_228] : memref<100000x128xf32, #tpu.memory_space<hbm>> -> memref<100000x128xf32, #tpu.memory_space<hbm>>
        %dma_start3A_230 = tpu.memref_slice %arg11[%dma_start3A_223] : memref<5x!tpu.dma_semaphore, #tpu.memory_space<semaphore_mem>> -> memref<1x!tpu.dma_semaphore, #tpu.memory_space<semaphore_mem>>
        %dma_start3A_231 = tpu.memref_squeeze %dma_start3A_230 : memref<1x!tpu.dma_semaphore, #tpu.memory_space<semaphore_mem>> -> memref<!tpu.dma_semaphore, #tpu.memory_space<semaphore_mem>>
        tpu.enqueue_indirect_dma source(%dma_start3A_229 : memref<100000x128xf32, #tpu.memory_space<hbm>>) target(%arg6 : memref<128x128xf32, #tpu.memory_space<vmem>>) offsets(%dma_start3A_226 : memref<128xi32, #tpu.memory_space<vmem>>) semaphore(%dma_start3A_231 : memref<!tpu.dma_semaphore, #tpu.memory_space<semaphore_mem>>)
      } else {
      }
      %dma_wait3A_141 = arith.constant 0 : i32
      %dma_wait3A_142 = arith.constant 2 : i32
      %dma_wait3A_143 = arith.constant 0 : i32
      %dma_wait3A_144 = tpu.memref_slice %arg5[%dma_wait3A_141, %dma_wait3A_143] : memref<200x128xi32, #tpu.memory_space<vmem>> -> memref<1x128xi32, #tpu.memory_space<vmem>>
      %dma_wait3A_145 = tpu.memref_squeeze %dma_wait3A_144 : memref<1x128xi32, #tpu.memory_space<vmem>> -> memref<128xi32, #tpu.memory_space<vmem>>
      %dma_wait3A_146 = arith.constant 0 : i32
      %dma_wait3A_147 = arith.constant 0 : i32
      %dma_wait3A_148 = tpu.memref_slice %arg3[%dma_wait3A_146, %dma_wait3A_147] : memref<100000x128xf32, #tpu.memory_space<hbm>> -> memref<100000x128xf32, #tpu.memory_space<hbm>>
      %dma_wait3A_149 = tpu.memref_slice %arg11[%dma_wait3A_142] : memref<5x!tpu.dma_semaphore, #tpu.memory_space<semaphore_mem>> -> memref<1x!tpu.dma_semaphore, #tpu.memory_space<semaphore_mem>>
      %dma_wait3A_150 = tpu.memref_squeeze %dma_wait3A_149 : memref<1x!tpu.dma_semaphore, #tpu.memory_space<semaphore_mem>> -> memref<!tpu.dma_semaphore, #tpu.memory_space<semaphore_mem>>
      tpu.wait_indirect_dma semaphore(%dma_wait3A_150 : memref<!tpu.dma_semaphore, #tpu.memory_space<semaphore_mem>>) src(%dma_wait3A_148 : memref<100000x128xf32, #tpu.memory_space<hbm>>) dst(%arg8 : memref<128x128xf32, #tpu.memory_space<vmem>>)
      %mul3A_151 = arith.constant 128 : i32
      %mul3A_152 = arith.muli %add3A_133, %mul3A_151 : i32
      %add3A_153 = arith.addi %mul3A_4, %mul3A_152 : i32
      %dma_start3A_154 = arith.constant 2 : i32
      %dma_start3A_155 = arith.constant 0 : i32
      %dma_start3A_156 = tpu.memref_slice %arg4[%add3A_153, %dma_start3A_155] : memref<819200x128xf32, #tpu.memory_space<hbm>> -> memref<128x128xf32, #tpu.memory_space<hbm>>
      %dma_start3A_157 = tpu.memref_slice %arg12[%dma_start3A_154] : memref<5x!tpu.dma_semaphore, #tpu.memory_space<semaphore_mem>> -> memref<1x!tpu.dma_semaphore, #tpu.memory_space<semaphore_mem>>
      %dma_start3A_158 = tpu.memref_squeeze %dma_start3A_157 : memref<1x!tpu.dma_semaphore, #tpu.memory_space<semaphore_mem>> -> memref<!tpu.dma_semaphore, #tpu.memory_space<semaphore_mem>>
      %dma_start3A_159 = arith.constant 0 : i32
      %dma_start3A_160 = tpu.memref_slice %arg4[%add3A_153, %dma_start3A_159] : memref<819200x128xf32, #tpu.memory_space<hbm>> -> memref<128x128xf32, #tpu.memory_space<hbm>>
      tpu.enqueue_dma source(%arg8 : memref<128x128xf32, #tpu.memory_space<vmem>>) target(%dma_start3A_160 : memref<128x128xf32, #tpu.memory_space<hbm>>) target_semaphore(%dma_start3A_158 : memref<!tpu.dma_semaphore, #tpu.memory_space<semaphore_mem>>)
      %add3A_161 = arith.constant 3 : i32
      %add3A_162 = arith.addi %add3A_76, %add3A_161 : i32
      %add3A_163 = arith.constant 3 : i32
      %add3A_164 = arith.addi %add3A_162, %add3A_163 : i32
      %lt3A_165 = arith.constant 200 : i32
      %lt3A_166 = arith.cmpi slt, %add3A_164, %lt3A_165 : i32
      %convert_element_type3A_167 = arith.extui %lt3A_166 : i1 to i32
      %cond3A_168 = arith.constant 0 : i32
      %cond3A_169 = arith.cmpi ne, %convert_element_type3A_167, %cond3A_168 : i32
      scf.if %cond3A_169 {
        %ge3A = arith.constant 5 : i32
        %ge3A_219 = arith.cmpi sge, %add3A_164, %ge3A : i32
        %convert_element_type3A_220 = arith.extui %ge3A_219 : i1 to i32
        %cond3A_221 = arith.constant 0 : i32
        %cond3A_222 = arith.cmpi ne, %convert_element_type3A_220, %cond3A_221 : i32
        scf.if %cond3A_222 {
          %dma_wait3A_232 = arith.constant 1 : i32
          %dma_wait3A_233 = arith.constant 0 : i32
          %dma_wait3A_234 = tpu.memref_slice %arg4[%mul3A_4, %dma_wait3A_233] : memref<819200x128xf32, #tpu.memory_space<hbm>> -> memref<128x128xf32, #tpu.memory_space<hbm>>
          %dma_wait3A_235 = tpu.memref_slice %arg12[%dma_wait3A_232] : memref<5x!tpu.dma_semaphore, #tpu.memory_space<semaphore_mem>> -> memref<1x!tpu.dma_semaphore, #tpu.memory_space<semaphore_mem>>
          %dma_wait3A_236 = tpu.memref_squeeze %dma_wait3A_235 : memref<1x!tpu.dma_semaphore, #tpu.memory_space<semaphore_mem>> -> memref<!tpu.dma_semaphore, #tpu.memory_space<semaphore_mem>>
          %dma_wait3A_237 = arith.constant 0 : i32
          %dma_wait3A_238 = tpu.memref_slice %arg4[%mul3A_4, %dma_wait3A_237] : memref<819200x128xf32, #tpu.memory_space<hbm>> -> memref<128x128xf32, #tpu.memory_space<hbm>>
          tpu.wait_dma2 semaphore(%dma_wait3A_236 : memref<!tpu.dma_semaphore, #tpu.memory_space<semaphore_mem>>) src(%arg7 : memref<128x128xf32, #tpu.memory_space<vmem>>) dst(%dma_wait3A_238 : memref<128x128xf32, #tpu.memory_space<hbm>>)
        } else {
        }
        %dma_start3A_223 = arith.constant 1 : i32
        %dma_start3A_224 = arith.constant 0 : i32
        %dma_start3A_225 = tpu.memref_slice %arg5[%add3A_164, %dma_start3A_224] : memref<200x128xi32, #tpu.memory_space<vmem>> -> memref<1x128xi32, #tpu.memory_space<vmem>>
        %dma_start3A_226 = tpu.memref_squeeze %dma_start3A_225 : memref<1x128xi32, #tpu.memory_space<vmem>> -> memref<128xi32, #tpu.memory_space<vmem>>
        %dma_start3A_227 = arith.constant 0 : i32
        %dma_start3A_228 = arith.constant 0 : i32
        %dma_start3A_229 = tpu.memref_slice %arg3[%dma_start3A_227, %dma_start3A_228] : memref<100000x128xf32, #tpu.memory_space<hbm>> -> memref<100000x128xf32, #tpu.memory_space<hbm>>
        %dma_start3A_230 = tpu.memref_slice %arg11[%dma_start3A_223] : memref<5x!tpu.dma_semaphore, #tpu.memory_space<semaphore_mem>> -> memref<1x!tpu.dma_semaphore, #tpu.memory_space<semaphore_mem>>
        %dma_start3A_231 = tpu.memref_squeeze %dma_start3A_230 : memref<1x!tpu.dma_semaphore, #tpu.memory_space<semaphore_mem>> -> memref<!tpu.dma_semaphore, #tpu.memory_space<semaphore_mem>>
        tpu.enqueue_indirect_dma source(%dma_start3A_229 : memref<100000x128xf32, #tpu.memory_space<hbm>>) target(%arg7 : memref<128x128xf32, #tpu.memory_space<vmem>>) offsets(%dma_start3A_226 : memref<128xi32, #tpu.memory_space<vmem>>) semaphore(%dma_start3A_231 : memref<!tpu.dma_semaphore, #tpu.memory_space<semaphore_mem>>)
      } else {
      }
      %dma_wait3A_170 = arith.constant 0 : i32
      %dma_wait3A_171 = arith.constant 3 : i32
      %dma_wait3A_172 = arith.constant 0 : i32
      %dma_wait3A_173 = tpu.memref_slice %arg5[%dma_wait3A_170, %dma_wait3A_172] : memref<200x128xi32, #tpu.memory_space<vmem>> -> memref<1x128xi32, #tpu.memory_space<vmem>>
      %dma_wait3A_174 = tpu.memref_squeeze %dma_wait3A_173 : memref<1x128xi32, #tpu.memory_space<vmem>> -> memref<128xi32, #tpu.memory_space<vmem>>
      %dma_wait3A_175 = arith.constant 0 : i32
      %dma_wait3A_176 = arith.constant 0 : i32
      %dma_wait3A_177 = tpu.memref_slice %arg3[%dma_wait3A_175, %dma_wait3A_176] : memref<100000x128xf32, #tpu.memory_space<hbm>> -> memref<100000x128xf32, #tpu.memory_space<hbm>>
      %dma_wait3A_178 = tpu.memref_slice %arg11[%dma_wait3A_171] : memref<5x!tpu.dma_semaphore, #tpu.memory_space<semaphore_mem>> -> memref<1x!tpu.dma_semaphore, #tpu.memory_space<semaphore_mem>>
      %dma_wait3A_179 = tpu.memref_squeeze %dma_wait3A_178 : memref<1x!tpu.dma_semaphore, #tpu.memory_space<semaphore_mem>> -> memref<!tpu.dma_semaphore, #tpu.memory_space<semaphore_mem>>
      tpu.wait_indirect_dma semaphore(%dma_wait3A_179 : memref<!tpu.dma_semaphore, #tpu.memory_space<semaphore_mem>>) src(%dma_wait3A_177 : memref<100000x128xf32, #tpu.memory_space<hbm>>) dst(%arg9 : memref<128x128xf32, #tpu.memory_space<vmem>>)
      %mul3A_180 = arith.constant 128 : i32
      %mul3A_181 = arith.muli %add3A_162, %mul3A_180 : i32
      %add3A_182 = arith.addi %mul3A_4, %mul3A_181 : i32
      %dma_start3A_183 = arith.constant 3 : i32
      %dma_start3A_184 = arith.constant 0 : i32
      %dma_start3A_185 = tpu.memref_slice %arg4[%add3A_182, %dma_start3A_184] : memref<819200x128xf32, #tpu.memory_space<hbm>> -> memref<128x128xf32, #tpu.memory_space<hbm>>
      %dma_start3A_186 = tpu.memref_slice %arg12[%dma_start3A_183] : memref<5x!tpu.dma_semaphore, #tpu.memory_space<semaphore_mem>> -> memref<1x!tpu.dma_semaphore, #tpu.memory_space<semaphore_mem>>
      %dma_start3A_187 = tpu.memref_squeeze %dma_start3A_186 : memref<1x!tpu.dma_semaphore, #tpu.memory_space<semaphore_mem>> -> memref<!tpu.dma_semaphore, #tpu.memory_space<semaphore_mem>>
      %dma_start3A_188 = arith.constant 0 : i32
      %dma_start3A_189 = tpu.memref_slice %arg4[%add3A_182, %dma_start3A_188] : memref<819200x128xf32, #tpu.memory_space<hbm>> -> memref<128x128xf32, #tpu.memory_space<hbm>>
      tpu.enqueue_dma source(%arg9 : memref<128x128xf32, #tpu.memory_space<vmem>>) target(%dma_start3A_189 : memref<128x128xf32, #tpu.memory_space<hbm>>) target_semaphore(%dma_start3A_187 : memref<!tpu.dma_semaphore, #tpu.memory_space<semaphore_mem>>)
      %add3A_190 = arith.constant 4 : i32
      %add3A_191 = arith.addi %add3A_76, %add3A_190 : i32
      %add3A_192 = arith.constant 3 : i32
      %add3A_193 = arith.addi %add3A_191, %add3A_192 : i32
      %lt3A_194 = arith.constant 200 : i32
      %lt3A_195 = arith.cmpi slt, %add3A_193, %lt3A_194 : i32
      %convert_element_type3A_196 = arith.extui %lt3A_195 : i1 to i32
      %cond3A_197 = arith.constant 0 : i32
      %cond3A_198 = arith.cmpi ne, %convert_element_type3A_196, %cond3A_197 : i32
      scf.if %cond3A_198 {
        %ge3A = arith.constant 5 : i32
        %ge3A_219 = arith.cmpi sge, %add3A_193, %ge3A : i32
        %convert_element_type3A_220 = arith.extui %ge3A_219 : i1 to i32
        %cond3A_221 = arith.constant 0 : i32
        %cond3A_222 = arith.cmpi ne, %convert_element_type3A_220, %cond3A_221 : i32
        scf.if %cond3A_222 {
          %dma_wait3A_232 = arith.constant 2 : i32
          %dma_wait3A_233 = arith.constant 0 : i32
          %dma_wait3A_234 = tpu.memref_slice %arg4[%mul3A_4, %dma_wait3A_233] : memref<819200x128xf32, #tpu.memory_space<hbm>> -> memref<128x128xf32, #tpu.memory_space<hbm>>
          %dma_wait3A_235 = tpu.memref_slice %arg12[%dma_wait3A_232] : memref<5x!tpu.dma_semaphore, #tpu.memory_space<semaphore_mem>> -> memref<1x!tpu.dma_semaphore, #tpu.memory_space<semaphore_mem>>
          %dma_wait3A_236 = tpu.memref_squeeze %dma_wait3A_235 : memref<1x!tpu.dma_semaphore, #tpu.memory_space<semaphore_mem>> -> memref<!tpu.dma_semaphore, #tpu.memory_space<semaphore_mem>>
          %dma_wait3A_237 = arith.constant 0 : i32
          %dma_wait3A_238 = tpu.memref_slice %arg4[%mul3A_4, %dma_wait3A_237] : memref<819200x128xf32, #tpu.memory_space<hbm>> -> memref<128x128xf32, #tpu.memory_space<hbm>>
          tpu.wait_dma2 semaphore(%dma_wait3A_236 : memref<!tpu.dma_semaphore, #tpu.memory_space<semaphore_mem>>) src(%arg8 : memref<128x128xf32, #tpu.memory_space<vmem>>) dst(%dma_wait3A_238 : memref<128x128xf32, #tpu.memory_space<hbm>>)
        } else {
        }
        %dma_start3A_223 = arith.constant 2 : i32
        %dma_start3A_224 = arith.constant 0 : i32
        %dma_start3A_225 = tpu.memref_slice %arg5[%add3A_193, %dma_start3A_224] : memref<200x128xi32, #tpu.memory_space<vmem>> -> memref<1x128xi32, #tpu.memory_space<vmem>>
        %dma_start3A_226 = tpu.memref_squeeze %dma_start3A_225 : memref<1x128xi32, #tpu.memory_space<vmem>> -> memref<128xi32, #tpu.memory_space<vmem>>
        %dma_start3A_227 = arith.constant 0 : i32
        %dma_start3A_228 = arith.constant 0 : i32
        %dma_start3A_229 = tpu.memref_slice %arg3[%dma_start3A_227, %dma_start3A_228] : memref<100000x128xf32, #tpu.memory_space<hbm>> -> memref<100000x128xf32, #tpu.memory_space<hbm>>
        %dma_start3A_230 = tpu.memref_slice %arg11[%dma_start3A_223] : memref<5x!tpu.dma_semaphore, #tpu.memory_space<semaphore_mem>> -> memref<1x!tpu.dma_semaphore, #tpu.memory_space<semaphore_mem>>
        %dma_start3A_231 = tpu.memref_squeeze %dma_start3A_230 : memref<1x!tpu.dma_semaphore, #tpu.memory_space<semaphore_mem>> -> memref<!tpu.dma_semaphore, #tpu.memory_space<semaphore_mem>>
        tpu.enqueue_indirect_dma source(%dma_start3A_229 : memref<100000x128xf32, #tpu.memory_space<hbm>>) target(%arg8 : memref<128x128xf32, #tpu.memory_space<vmem>>) offsets(%dma_start3A_226 : memref<128xi32, #tpu.memory_space<vmem>>) semaphore(%dma_start3A_231 : memref<!tpu.dma_semaphore, #tpu.memory_space<semaphore_mem>>)
      } else {
      }
      %dma_wait3A_199 = arith.constant 0 : i32
      %dma_wait3A_200 = arith.constant 4 : i32
      %dma_wait3A_201 = arith.constant 0 : i32
      %dma_wait3A_202 = tpu.memref_slice %arg5[%dma_wait3A_199, %dma_wait3A_201] : memref<200x128xi32, #tpu.memory_space<vmem>> -> memref<1x128xi32, #tpu.memory_space<vmem>>
      %dma_wait3A_203 = tpu.memref_squeeze %dma_wait3A_202 : memref<1x128xi32, #tpu.memory_space<vmem>> -> memref<128xi32, #tpu.memory_space<vmem>>
      %dma_wait3A_204 = arith.constant 0 : i32
      %dma_wait3A_205 = arith.constant 0 : i32
      %dma_wait3A_206 = tpu.memref_slice %arg3[%dma_wait3A_204, %dma_wait3A_205] : memref<100000x128xf32, #tpu.memory_space<hbm>> -> memref<100000x128xf32, #tpu.memory_space<hbm>>
      %dma_wait3A_207 = tpu.memref_slice %arg11[%dma_wait3A_200] : memref<5x!tpu.dma_semaphore, #tpu.memory_space<semaphore_mem>> -> memref<1x!tpu.dma_semaphore, #tpu.memory_space<semaphore_mem>>
      %dma_wait3A_208 = tpu.memref_squeeze %dma_wait3A_207 : memref<1x!tpu.dma_semaphore, #tpu.memory_space<semaphore_mem>> -> memref<!tpu.dma_semaphore, #tpu.memory_space<semaphore_mem>>
      tpu.wait_indirect_dma semaphore(%dma_wait3A_208 : memref<!tpu.dma_semaphore, #tpu.memory_space<semaphore_mem>>) src(%dma_wait3A_206 : memref<100000x128xf32, #tpu.memory_space<hbm>>) dst(%arg10 : memref<128x128xf32, #tpu.memory_space<vmem>>)
      %mul3A_209 = arith.constant 128 : i32
      %mul3A_210 = arith.muli %add3A_191, %mul3A_209 : i32
      %add3A_211 = arith.addi %mul3A_4, %mul3A_210 : i32
      %dma_start3A_212 = arith.constant 4 : i32
      %dma_start3A_213 = arith.constant 0 : i32
      %dma_start3A_214 = tpu.memref_slice %arg4[%add3A_211, %dma_start3A_213] : memref<819200x128xf32, #tpu.memory_space<hbm>> -> memref<128x128xf32, #tpu.memory_space<hbm>>
      %dma_start3A_215 = tpu.memref_slice %arg12[%dma_start3A_212] : memref<5x!tpu.dma_semaphore, #tpu.memory_space<semaphore_mem>> -> memref<1x!tpu.dma_semaphore, #tpu.memory_space<semaphore_mem>>
      %dma_start3A_216 = tpu.memref_squeeze %dma_start3A_215 : memref<1x!tpu.dma_semaphore, #tpu.memory_space<semaphore_mem>> -> memref<!tpu.dma_semaphore, #tpu.memory_space<semaphore_mem>>
      %dma_start3A_217 = arith.constant 0 : i32
      %dma_start3A_218 = tpu.memref_slice %arg4[%add3A_211, %dma_start3A_217] : memref<819200x128xf32, #tpu.memory_space<hbm>> -> memref<128x128xf32, #tpu.memory_space<hbm>>
      tpu.enqueue_dma source(%arg10 : memref<128x128xf32, #tpu.memory_space<vmem>>) target(%dma_start3A_218 : memref<128x128xf32, #tpu.memory_space<hbm>>) target_semaphore(%dma_start3A_216 : memref<!tpu.dma_semaphore, #tpu.memory_space<semaphore_mem>>)
    }
    %scan3A_37 = arith.constant 40 : i32
    %dma_wait3A = arith.constant 0 : i32
    %dma_wait3A_38 = arith.constant 0 : i32
    %dma_wait3A_39 = tpu.memref_slice %arg4[%mul3A_4, %dma_wait3A_38] : memref<819200x128xf32, #tpu.memory_space<hbm>> -> memref<128x128xf32, #tpu.memory_space<hbm>>
    %dma_wait3A_40 = tpu.memref_slice %arg12[%dma_wait3A] : memref<5x!tpu.dma_semaphore, #tpu.memory_space<semaphore_mem>> -> memref<1x!tpu.dma_semaphore, #tpu.memory_space<semaphore_mem>>
    %dma_wait3A_41 = tpu.memref_squeeze %dma_wait3A_40 : memref<1x!tpu.dma_semaphore, #tpu.memory_space<semaphore_mem>> -> memref<!tpu.dma_semaphore, #tpu.memory_space<semaphore_mem>>
    %dma_wait3A_42 = arith.constant 0 : i32
    %dma_wait3A_43 = tpu.memref_slice %arg4[%mul3A_4, %dma_wait3A_42] : memref<819200x128xf32, #tpu.memory_space<hbm>> -> memref<128x128xf32, #tpu.memory_space<hbm>>
    tpu.wait_dma2 semaphore(%dma_wait3A_41 : memref<!tpu.dma_semaphore, #tpu.memory_space<semaphore_mem>>) src(%arg6 : memref<128x128xf32, #tpu.memory_space<vmem>>) dst(%dma_wait3A_43 : memref<128x128xf32, #tpu.memory_space<hbm>>)
    %dma_wait3A_44 = arith.constant 1 : i32
    %dma_wait3A_45 = arith.constant 0 : i32
    %dma_wait3A_46 = tpu.memref_slice %arg4[%mul3A_4, %dma_wait3A_45] : memref<819200x128xf32, #tpu.memory_space<hbm>> -> memref<128x128xf32, #tpu.memory_space<hbm>>
    %dma_wait3A_47 = tpu.memref_slice %arg12[%dma_wait3A_44] : memref<5x!tpu.dma_semaphore, #tpu.memory_space<semaphore_mem>> -> memref<1x!tpu.dma_semaphore, #tpu.memory_space<semaphore_mem>>
    %dma_wait3A_48 = tpu.memref_squeeze %dma_wait3A_47 : memref<1x!tpu.dma_semaphore, #tpu.memory_space<semaphore_mem>> -> memref<!tpu.dma_semaphore, #tpu.memory_space<semaphore_mem>>
    %dma_wait3A_49 = arith.constant 0 : i32
    %dma_wait3A_50 = tpu.memref_slice %arg4[%mul3A_4, %dma_wait3A_49] : memref<819200x128xf32, #tpu.memory_space<hbm>> -> memref<128x128xf32, #tpu.memory_space<hbm>>
    tpu.wait_dma2 semaphore(%dma_wait3A_48 : memref<!tpu.dma_semaphore, #tpu.memory_space<semaphore_mem>>) src(%arg7 : memref<128x128xf32, #tpu.memory_space<vmem>>) dst(%dma_wait3A_50 : memref<128x128xf32, #tpu.memory_space<hbm>>)
    %dma_wait3A_51 = arith.constant 2 : i32
    %dma_wait3A_52 = arith.constant 0 : i32
    %dma_wait3A_53 = tpu.memref_slice %arg4[%mul3A_4, %dma_wait3A_52] : memref<819200x128xf32, #tpu.memory_space<hbm>> -> memref<128x128xf32, #tpu.memory_space<hbm>>
    %dma_wait3A_54 = tpu.memref_slice %arg12[%dma_wait3A_51] : memref<5x!tpu.dma_semaphore, #tpu.memory_space<semaphore_mem>> -> memref<1x!tpu.dma_semaphore, #tpu.memory_space<semaphore_mem>>
    %dma_wait3A_55 = tpu.memref_squeeze %dma_wait3A_54 : memref<1x!tpu.dma_semaphore, #tpu.memory_space<semaphore_mem>> -> memref<!tpu.dma_semaphore, #tpu.memory_space<semaphore_mem>>
    %dma_wait3A_56 = arith.constant 0 : i32
    %dma_wait3A_57 = tpu.memref_slice %arg4[%mul3A_4, %dma_wait3A_56] : memref<819200x128xf32, #tpu.memory_space<hbm>> -> memref<128x128xf32, #tpu.memory_space<hbm>>
    tpu.wait_dma2 semaphore(%dma_wait3A_55 : memref<!tpu.dma_semaphore, #tpu.memory_space<semaphore_mem>>) src(%arg8 : memref<128x128xf32, #tpu.memory_space<vmem>>) dst(%dma_wait3A_57 : memref<128x128xf32, #tpu.memory_space<hbm>>)
    %dma_wait3A_58 = arith.constant 3 : i32
    %dma_wait3A_59 = arith.constant 0 : i32
    %dma_wait3A_60 = tpu.memref_slice %arg4[%mul3A_4, %dma_wait3A_59] : memref<819200x128xf32, #tpu.memory_space<hbm>> -> memref<128x128xf32, #tpu.memory_space<hbm>>
    %dma_wait3A_61 = tpu.memref_slice %arg12[%dma_wait3A_58] : memref<5x!tpu.dma_semaphore, #tpu.memory_space<semaphore_mem>> -> memref<1x!tpu.dma_semaphore, #tpu.memory_space<semaphore_mem>>
    %dma_wait3A_62 = tpu.memref_squeeze %dma_wait3A_61 : memref<1x!tpu.dma_semaphore, #tpu.memory_space<semaphore_mem>> -> memref<!tpu.dma_semaphore, #tpu.memory_space<semaphore_mem>>
    %dma_wait3A_63 = arith.constant 0 : i32
    %dma_wait3A_64 = tpu.memref_slice %arg4[%mul3A_4, %dma_wait3A_63] : memref<819200x128xf32, #tpu.memory_space<hbm>> -> memref<128x128xf32, #tpu.memory_space<hbm>>
    tpu.wait_dma2 semaphore(%dma_wait3A_62 : memref<!tpu.dma_semaphore, #tpu.memory_space<semaphore_mem>>) src(%arg9 : memref<128x128xf32, #tpu.memory_space<vmem>>) dst(%dma_wait3A_64 : memref<128x128xf32, #tpu.memory_space<hbm>>)
    %dma_wait3A_65 = arith.constant 4 : i32
    %dma_wait3A_66 = arith.constant 0 : i32
    %dma_wait3A_67 = tpu.memref_slice %arg4[%mul3A_4, %dma_wait3A_66] : memref<819200x128xf32, #tpu.memory_space<hbm>> -> memref<128x128xf32, #tpu.memory_space<hbm>>
    %dma_wait3A_68 = tpu.memref_slice %arg12[%dma_wait3A_65] : memref<5x!tpu.dma_semaphore, #tpu.memory_space<semaphore_mem>> -> memref<1x!tpu.dma_semaphore, #tpu.memory_space<semaphore_mem>>
    %dma_wait3A_69 = tpu.memref_squeeze %dma_wait3A_68 : memref<1x!tpu.dma_semaphore, #tpu.memory_space<semaphore_mem>> -> memref<!tpu.dma_semaphore, #tpu.memory_space<semaphore_mem>>
    %dma_wait3A_70 = arith.constant 0 : i32
    %dma_wait3A_71 = tpu.memref_slice %arg4[%mul3A_4, %dma_wait3A_70] : memref<819200x128xf32, #tpu.memory_space<hbm>> -> memref<128x128xf32, #tpu.memory_space<hbm>>
    tpu.wait_dma2 semaphore(%dma_wait3A_69 : memref<!tpu.dma_semaphore, #tpu.memory_space<semaphore_mem>>) src(%arg10 : memref<128x128xf32, #tpu.memory_space<vmem>>) dst(%dma_wait3A_71 : memref<128x128xf32, #tpu.memory_space<hbm>>)
    return
  }
}

</mosaic_0001>

<sc_bundles>
// kernel: _embed.3.cloned.1.call-start
scs
__scs_entry_jumppad:
0x0: {  	(pc) =	sbr.rel $0x88, $3  }
0x1: {  	(tag) =	ssettag $0x0;
	lr =	simm.s32 $0x1  }
0x2: {  	[smem:$0x3F9F] =	sst lr;
	_ =	strace $0xD0000000  }
0x3: {  	_ = 	snop  }
0x4: {  	_ = 	snop  }
0x5: {  	_ = 	snop  }
0x6: {  	_ = 	snop  }
0x7: {  	_ = 	snop  }
__scs_overlays_trampoline_lowered:
0x8: {  	[smem:$0x3FAE] =	sst s0  }
0x9: {  	[smem:$0x3FAF] =	sst s1  }
0xa: {  	[smem:$0x3FB0] =	sst s2  }
0xb: {  	[smem:$0x3FB1] =	sst s3  }
0xc: {  	[smem:$0x3FB2] =	sst s4  }
0xd: {  	[smem:$0x3FB3] =	sst s5  }
0xe: {  	[smem:$0x3FB4] =	sst s6  }
0xf: {  	[smem:$0x3FB5] =	sst s7  }
0x10: {  	[smem:$0x3FB6] =	sst s8  }
0x11: {  	[smem:$0x3FB7] =	sst s9;
	s0 =	simm.s32 @!p0 $0x0  }
0x12: {  	s1 =	sld [smem:$0x3F9D];
	s0 =	simm.s32 @p0 $0x1  }
0x13: {  	[smem:$0x3FB8] =	sst s0;
	s0 =	simm.s32 @!p1 $0x0  }
0x14: {  	s2 =	sld [smem:$0x3F9C];
	s0 =	simm.s32 @p1 $0x1  }
0x15: {  	[smem:$0x3FB9] =	sst s0;
	s0 =	simm.s32 @!p2 $0x0  }
0x16: {  	s3 =	sld [smem:$0x3FDB];
	s0 =	simm.s32 @p2 $0x1  }
0x17: {  	s4 =	simm.s32 $0x1BF5;
	[smem:$0x3FBB] =	sst s0  }
0x18: {  	s0 =	sld [smem:$0x3F9E];
	_ =	swait.ge [sflag:s4], $0x0  }
0x19: {  	s7 =	sld [smem:$0x3F9F]  }
0x1a: {  	s8 =	sadd.s32 $0xFFFFE003, lr  }
0x1b: {  	s9 =	sadd.s32 $0xFFFFFEF7, lr;
	s5 =	simm.s32 $0xFFFFFFFF;
	p2 =	slt.u32 s8, $0xFFFFF086  }
0x1c: {  	p1 =	slt.u32 s9, $0xF7A;
	s5 =	simm.s32 @!p2 $0x0  }
0x1d: {  	s5 =	simm.s32 @p1 $0x1;
	p0 =	seq.s32 s7, s2  }
0x1e: {  	s7 =	smul.u32 @!p0 $0xF7A, s2;
	p2 =	seq.s32 @!p0 s5, $0x0  }
0x1f: {  	s9 =	smul.u32 $0xF7A, s1;
	s8 =	simm.s32 @!p0 $0x1BF5;
	p2 =	por !p2, p0  }
0x20: {  	[sflag:s8] =	ssyncset.s32 @!p0 $0xFFFFF086;
	s6 =	sadd.s32 @!p0 s3, s7;
	s7 =	simm.s32 @!p0 $0x108  }
0x21: {  	s3 =	sadd.s32 s3, s9;
	s6 =	sadd.s32 @!p0 $0x88, s6;
	s7 =	simm.s32 @p2 $0x1082  }
0x22: {  	[simem:s7], [sflag:s8] =	dma.local @!p0 [hbm:s6], $0xF7A  }
0x23: {  	s9 =	sor.u32 $0xD0000000, s2;
	s6 =	simm.s32 $0x108;
	_ =	swait.ge @!p0 [sflag:s8], $0x0  }
0x24: {  	s3 =	sadd.s32 $0x88, s3;
	s6 =	simm.s32 @!p1 $0x1082;
	[sflag:s4] =	ssyncset.s32 $0xFFFFF086  }
0x25: {  	[simem:s6], [sflag:s4] =	dma.local [hbm:s3], $0xF7A  }
0x26: {  	[smem:$0x3F9F] =	sst s1;
	(tag) =	ssettag s2;
	_ =	strace s9  }
0x27: {  	s1 =	sld [smem:$0x3FAF]  }
0x28: {  	s2 =	sld [smem:$0x3FB0]  }
0x29: {  	s4 =	sld [smem:$0x3FB2]  }
0x2a: {  	p0 =	seq.s32 s5, $0x0;
	s5 =	sld [smem:$0x3FB3]  }
0x2b: {  	s6 =	sld [smem:$0x3FB4]  }
0x2c: {  	s7 =	sld [smem:$0x3FB5]  }
0x2d: {  	s3 =	simm.s32 $0x108;
	s8 =	sld [smem:$0x3FB6]  }
0x2e: {  	s3 =	simm.s32 @!p0 $0x1082;
	s9 =	sld [smem:$0x3FB7]  }
0x2f: {  	lr =	sadd.s32 s0, s3;
	s0 =	sld [smem:$0x3FAE]  }
0x30: {  	s3 =	sld [smem:$0x3FB1]  }
0x31: {  	[smem:$0x3FBA] =	sst s10  }
0x32: {  	s10 =	sld [smem:$0x3FB8];
	_ =	sdelay $0x3  }
0x33: {  	p0 =	seq.s32 s10, $0x1;
	s10 =	sld [smem:$0x3FBA];
	_ =	sdelay $0x3  }
0x34: {  	[smem:$0x3FBA] =	sst s10  }
0x35: {  	s10 =	sld [smem:$0x3FB9];
	_ =	sdelay $0x3  }
0x36: {  	p1 =	seq.s32 s10, $0x1;
	s10 =	sld [smem:$0x3FBA];
	_ =	sdelay $0x3  }
0x37: {  	[smem:$0x3FBA] =	sst s10  }
0x38: {  	s10 =	sld [smem:$0x3FBB]  }
0x39: {  	_ = 	snop;
	(pc) =	sbr.ind lr, $3  }
0x3a: {  	_ = 	snop  }
0x3b: {  	_ = 	snop  }
0x3c: {  	p2 =	seq.s32 s10, $0x1;
	s10 =	sld [smem:$0x3FBA]  }
0x3d: {  	_ =	shalt  }
0x3e: {  	_ =	shalt  }
0x3f: {  	_ =	shalt  }
0x40: {  	_ =	shalt  }
0x41: {  	_ =	shalt  }
0x42: {  	_ =	shalt  }
0x43: {  	_ =	shalt  }
0x44: {  	_ =	shalt  }
0x45: {  	_ =	shalt  }
0x46: {  	_ =	shalt  }
0x47: {  	_ =	shalt  }
0x48: {  	_ =	shalt  }
0x49: {  	_ =	shalt  }
0x4a: {  	_ =	shalt  }
0x4b: {  	_ =	shalt  }
0x4c: {  	_ =	shalt  }
0x4d: {  	_ =	shalt  }
0x4e: {  	_ =	shalt  }
0x4f: {  	_ =	shalt  }
0x50: {  	_ =	shalt  }
0x51: {  	_ =	shalt  }
0x52: {  	_ =	shalt  }
0x53: {  	_ =	shalt  }
0x54: {  	_ =	shalt  }
0x55: {  	_ =	shalt  }
0x56: {  	_ =	shalt  }
0x57: {  	_ =	shalt  }
0x58: {  	_ =	shalt  }
0x59: {  	_ =	shalt  }
0x5a: {  	_ =	shalt  }
0x5b: {  	_ =	shalt  }
0x5c: {  	_ =	shalt  }
0x5d: {  	_ =	shalt  }
0x5e: {  	_ =	shalt  }
0x5f: {  	_ =	shalt  }
0x60: {  	_ =	shalt  }
0x61: {  	_ =	shalt  }
0x62: {  	_ =	shalt  }
0x63: {  	_ =	shalt  }
0x64: {  	_ =	shalt  }
0x65: {  	_ =	shalt  }
0x66: {  	_ =	shalt  }
0x67: {  	_ =	shalt  }
0x68: {  	_ =	shalt  }
0x69: {  	_ =	shalt  }
0x6a: {  	_ =	shalt  }
0x6b: {  	_ =	shalt  }
0x6c: {  	_ =	shalt  }
0x6d: {  	_ =	shalt  }
0x6e: {  	_ =	shalt  }
0x6f: {  	_ =	shalt  }
0x70: {  	_ =	shalt  }
0x71: {  	_ =	shalt  }
0x72: {  	_ =	shalt  }
0x73: {  	_ =	shalt  }
0x74: {  	_ =	shalt  }
0x75: {  	_ =	shalt  }
0x76: {  	_ =	shalt  }
0x77: {  	_ =	shalt  }
0x78: {  	_ =	shalt  }
0x79: {  	_ =	shalt  }
0x7a: {  	_ =	shalt  }
0x7b: {  	_ =	shalt  }
0x7c: {  	_ =	shalt  }
0x7d: {  	_ =	shalt  }
0x7e: {  	_ =	shalt  }
0x7f: {  	_ =	shalt  }
0x80: {  	_ =	shalt  }
0x81: {  	_ =	shalt  }
0x82: {  	_ =	shalt  }
0x83: {  	_ =	shalt  }
0x84: {  	_ =	shalt  }
0x85: {  	_ =	shalt  }
0x86: {  	_ =	shalt  }
0x87: {  	_ =	shalt  }
.Lfunc_end0:
.L_simem_size_0:
called_computation_lowered:
.L_overlay_start_0:
0x88: {  	s2 =	sld [smem:$0x3FD9]  }
0x89: {  	s3 =	sld [smem:$0x3FFE];
	_ =	sdelay $0x1  }
0x8a: {  	s1 =	srdreg.scid  }
0x8b: {  	s0 =	sand.u32 $0x1, s1  }
0x8c: {  	s18 =	sshll.u32 s0, $0xA;
	s2 =	sadd.s32 s3, s2  }
0x8d: {  	s2 =	sadd.s32 s2, s18  }
0x8e: {  	[smem:$0x3FC6] =	sst s2  }
0x8f: {  	_ = 	snop  }
0x90: {  	s2 =	sld [smem:$0x3FC9]  }
0x91: {  	s19 =	sld [smem:$0x3FC8]  }
0x92: {  	s4 =	sld [smem:$0x3FD0];
	(tm) =	ssettm $0x1  }
0x93: {  	s5 =	sld [smem:$0x3FFB];
	_ =	sdelay $0x3  }
0x94: {  	_ =	strace s5  }
0x95: {  	s5 =	sld [smem:$0x3FFC];
	_ =	sdelay $0x3  }
0x96: {  	_ =	strace s5  }
0x97: {  	s5 =	sld [smem:$0x3FFD];
	_ =	sdelay $0x3  }
0x98: {  	_ =	strace s5  }
0x99: {  	_ =	strace $0x8FFFFFFF  }
0x9a: {  	s20 =	sld [smem:$0x3FDB];
	_ =	sdelay $0x1  }
0x9b: {  	s6 =	simm.s32 $_scs_section_size  }
0x9c: {  	s7 =	simm.s32 $_size__tile_overlayer_lowered;
	s8 =	simm.s32 $_tile_overlayer_lowered  }
0x9d: {  	s23 =	simm.s32 $0x1BFF;
	s22 =	sshll.u32 s8, $0x1;
	s5 =	sadd.s32 s6, s20  }
0x9e: {  	s9 =	simm.s32 $0x0;
	s21 =	sshll.u32 s7, $0x1;
	s7 =	sadd.s32 s22, s5  }
0x9f: {  	[timem:s9], [sflag:s23] =	dma.local [hbm:s7], s21  }
0xa0: {  	_ =	swait.ge [sflag:s23], s21  }
0xa1: {  	s6 =	ssub.s32 $0x0, s21;
	[sflag:s23] =	ssyncset.done $0x0  }
0xa2: {  	[sflag:s23] =	ssyncadd.s32 s6;
	_ =	sdelay $0x1  }
0xa3: {  	s24 =	simm.s32 $0x1B8B  }
0xa4: {  	_ =	swait.ge [sflag:s24], $0x1  }
0xa5: {  	[sflag:s24] =	ssyncset.done $0x0  }
0xa6: {  	s25 =	simm.s32 $0x1B8E;
	[sflag:s24] =	ssyncadd.s32 $0xFFFFFFFF  }
0xa7: {  	s26 =	simm.s32 $execute0_lowered;
	[smem:$0x3FD2] =	sst s25  }
0xa8: {  	s6 =	sshll.u32 s26, $0x1;
	_ =	strace $0x80000046;
	[dreg:$0x1] =	wrdreg $0xFFFFFFFF  }
0xa9: {  	s28 =	simm.s32 $_size_execute0_lowered;
	s5 =	sadd.s32 s5, s6;
	[dreg:$0x0] =	wrdreg $0x0  }
0xaa: {  	s6 =	sshll.u32 s28, $0x1;
	[dreg:$0x2] =	wrdreg s5  }
0xab: {  	[dreg:$0x3] =	wrdreg s6  }
0xac: {  	[dreg:$0x4] =	wrdreg $0xC0  }
0xad: {  	_ =	task [dreg:s9], $0x5FFFF  }
0xae: {  	[dreg:$0x1] =	wrdreg $0xFFFFFFFF  }
0xaf: {  	[dreg:$0x0] =	wrdreg $0x60  }
0xb0: {  	[dreg:$0x2] =	wrdreg s2  }
0xb1: {  	[dreg:$0x3] =	wrdreg s19  }
0xb2: {  	[dreg:$0x4] =	wrdreg s4  }
0xb3: {  	[dreg:$0x5] =	wrdreg $0x9  }
0xb4: {  	_ =	task.clear_ibuf [dreg:s9], $0x6FFFF;
	_ =	strace $0x90000046  }
0xb5: {  	s29 =	simm.s32 $0x9;
	_ =	strace $0x80000048  }
0xb6: {  	_ =	swait.ge [sflag:s29], $0x1  }
0xb7: {  	[sflag:s29] =	ssyncadd.s32 $0xFFFFFFFF  }
0xb8: {  	_ =	strace $0x90000048  }
0xb9: {  	_ =	sfence  }
0xba: {  	s30 =	sld [smem:$0x0];
	_ =	sdelay $0x2  }
0xbb: {  	s31 =	sshll.u32 s1, $0xD;
	s1 =	sshrl.u32 s1, $0x2  }
0xbc: {  	s3 =	sand.u32 $0x4000, s31;
	s1 =	sadd.s32 s1, s30  }
0xbd: {  	s0 =	sor.u32 s3, s0;
	s1 =	sshll.u32 s1, $0x11  }
0xbe: {  	s0 =	sor.u32 s1, s0  }
0xbf: {  	s0 =	sadd.s32 $0x8F2B, s0  }
0xc0: {  	[sflag:s0] =	ssyncadd.remote.s32 $0x1  }
0xc1: {  	_ =	sfence.sel $0xFFFF  }
0xc2: {  	[dreg:$0x0] =	wrdreg $0xFFFFFFFF;
	(pc) =	sbr.abs _section_cstart, $3  }
0xc3: {  	[dreg:$0x1] =	wrdreg $0xFFFFFFFF  }
0xc4: {  	_ =	task.clear_ibuf [dreg:s9], $0x2FFFF;
	_ =	strace $0x9FFFFFFF  }
0xc5: {  	(tm) =	ssettm $0x7FFFFFFF  }
tec
execute0_lowered:
.L_overlay_start_1:
0x0: {  	(tag) =	ssettag $0x1  }
0x1: {  	s5 =	rddreg [dreg:$0x0];
	s1 =	srdreg.scid  }
0x2: {  	s0 =	stileid.u32;
	s2 =	rddreg [dreg:$0x1]  }
0x3: {  	s3 =	rddreg [dreg:$0x2];
	s4 =	simm.s32 $0x0;
	s14 =	simm.s32 $0x12400  }
0x4: {  	s15 =	simm.s32 $0x1;
	s16 =	simm.s32 $0x16400;
	s17 =	simm.s32 $0x2  }
0x5: {  	s18 =	simm.s32 $0x4;
	s19 =	simm.s32 $0x5;
	s10 =	smul.u32 $0x640000, s0  }
0x6: {  	s21 =	simm.s32 $0x7;
	s6 =	sand.u32 $0x1, s1;
	s25 =	smul.u32 $0xC8000, s0  }
0x7: {  	s22 =	simm.s32 $0x8;
	s24 =	sshll.u32 s0, $0x1;
	s12 =	smul.u32 $0x320000, s6  }
0x8: {  	s23 =	simm.s32 $0x9;
	s7 =	sor.u32 s6, s24;
	s28 =	smul.u32 $0x64000, s6  }
0x9: {  	[smem:$0x7FF] =	sst s4;
	s9 =	ssub.s32 $0x2, s6;
	s8 =	smul.u32 $0x64000, s7  }
0xa: {  	_ =	strace $0x80000047;
	s11 =	sshrl.u32 s9, $0x1;
	s7 =	smul.u32 $0xC80, s7  }
0xb: {  	s24 =	simm.s32 $0xA;
	s9 =	ssub.s32 s9, s11;
	s10 =	sadd.s32 s12, s10  }
0xc: {  	s11 =	simm.s32 $0xA400;
	s8 =	sadd.s32 s3, s8;
	s30 =	sadd.s32 s5, s7  }
0xd: {  	s26 =	sor.u32 $0x10000, s10;
	s31 =	smax.u32 s9, $0x1;
	[dreg:$0x7] =	wrdreg s30  }
0xe: {  	s10 =	sor.u32 $0xC000, s10;
	s8 =	sadd.s32 $0x62800, s8;
	[dreg:$0x8] =	wrdreg s31  }
0xf: {  	s7 =	sadd.s32 s28, s25;
	s29 =	sshrl.u32 s26, $0x3;
	[dreg:$0x4] =	wrdreg s8  }
0x10: {  	s9 =	simm.s32 $0x80;
	s10 =	sshrl.u32 s10, $0x3;
	[dreg:$0x6] =	wrdreg s29  }
0x11: {  	s25 =	simm.s32 $0x0;
	[dreg:$0x5] =	wrdreg s10;
	s10 =	simm.s32 $0x6400  }
.LBB2_1:
0x12: {  	s0 =	rddreg [dreg:$0x7];
	s6 =	simm.s32 $0xB  }
0x13: {  	[tilespmem:s4], [sflag:$0xB] =	stream.linear.gather [hbm4b:s0+s4], $0x6400, $0x38;
	[tilespmem:$0x1A400] =	vst v63  }
0x14: {  	_ =	swait.ge [sflag:s6], $0x6400  }
0x15: {  	[sflag:s6] =	ssyncset.done $0x0  }
0x16: {  	p0 =	por $0x1, $0x1;
	[sflag:s6] =	ssyncadd.s32 $0xFFFF9C00  }
0x17: {  	[tilespmem:s10], [sflag:$0x1] =	stream.indirect.gather [hbm4b:s2+s9], $0x80, s4, s9, $0xb8;
	[tilespmem:$0x1A400] =	vst v63  }
0x18: {  	p0 =	por p0, p0  }
0x19: {  	[tilespmem:s11], [sflag:$0x2] =	stream.indirect.gather [hbm4b:s2+s9], $0x80, s9, s9, $0xb8;
	[tilespmem:$0x1A400] =	vst v63  }
0x1a: {  	s8 =	simm.s32 $0x100;
	s1 =	simm.s32 $0xE400;
	s26 =	simm.s32 @!p0 $0x9  }
0x1b: {  	[tilespmem:s1], [sflag:$0x3] =	stream.indirect.gather [hbm4b:s2+s9], $0x80, s8, s9, $0xb8;
	[tilespmem:$0x1A400] =	vst v63  }
0x1c: {  	_ =	swait.ge @!p0 [sflag:s26], $0x4000  }
0x1d: {  	[sflag:s26] =	ssyncset.done @!p0 $0x0  }
0x1e: {  	s12 =	simm.s32 $0x180;
	[sflag:s26] =	ssyncadd.s32 @!p0 $0xFFFFC000  }
0x1f: {  	[tilespmem:s14], [sflag:$0x4] =	stream.indirect.gather [hbm4b:s2+s9], $0x80, s12, s9, $0xb8;
	[tilespmem:$0x1A400] =	vst v63  }
0x20: {  	_ =	swait.ge [sflag:s15], $0x4000  }
0x21: {  	[sflag:s15] =	ssyncset.done $0x0  }
0x22: {  	s13 =	sadd.s32 s3, s7;
	s28 =	simm.s32 @!p0 $0xA;
	[sflag:s15] =	ssyncadd.s32 $0xFFFFC000  }
0x23: {  	[hbm4b:s13+s4] =	stream.linear.scatter [tilespmem:s10], [sflag:$0x6], $0x4000, $0x38;
	[tilespmem:$0x1A400] =	vst v63  }
0x24: {  	_ =	swait.ge @!p0 [sflag:s28], $0x4000  }
0x25: {  	[sflag:s28] =	ssyncset.done @!p0 $0x0  }
0x26: {  	[sflag:s28] =	ssyncadd.s32 @!p0 $0xFFFFC000;
	s28 =	simm.s32 $0x200  }
0x27: {  	[tilespmem:s16], [sflag:$0x5] =	stream.indirect.gather [hbm4b:s2+s9], $0x80, s28, s9, $0xb8;
	[tilespmem:$0x1A400] =	vst v63  }
0x28: {  	_ =	swait.ge [sflag:s17], $0x4000  }
0x29: {  	[sflag:s17] =	ssyncset.done $0x0  }
0x2a: {  	s26 =	sadd.s32 $0x800, s13;
	p0 =	por $0x0, $0x0;
	[sflag:s17] =	ssyncadd.s32 $0xFFFFC000  }
0x2b: {  	[hbm4b:s26+s4] =	stream.linear.scatter [tilespmem:s11], [sflag:$0x7], $0x4000, $0x38;
	[tilespmem:$0x1A400] =	vst v63  }
0x2c: {  	s26 =	simm.s32 @p0 $0x3  }
0x2d: {  	_ =	swait.ge @p0 [sflag:s26], $0x4000  }
0x2e: {  	s29 =	simm.s32 @p0 $0xE400;
	s30 =	simm.s32 @!p0 $0x6;
	[sflag:s26] =	ssyncset.done @p0 $0x0  }
0x2f: {  	s28 =	rddreg [dreg:$0x4];
	[sflag:s26] =	ssyncadd.s32 @p0 $0xFFFFC000;
	s26 =	simm.s32 @p0 $0x0  }
0x30: {  	[hbm4b:s28+s26] =	stream.linear.scatter @p0 [tilespmem:s29], [sflag:$0x8], $0x4000, $0x38;
	[tilespmem:$0x1A400] =	vst v63  }
0x31: {  	_ =	swait.ge @!p0 [sflag:s30], $0x4000  }
0x32: {  	s26 =	simm.s32 @!p0 $0x280;
	s28 =	simm.s32 @!p0 $0x80;
	[sflag:s30] =	ssyncset.done @!p0 $0x0  }
0x33: {  	s29 =	simm.s32 @!p0 $0x6400;
	[sflag:s30] =	ssyncadd.s32 @!p0 $0xFFFFC000;
	s30 =	simm.s32 @!p0 $0x3  }
0x34: {  	[tilespmem:s29], [sflag:$0x1] =	stream.indirect.gather @!p0 [hbm4b:s2+s28], $0x80, s26, s28, $0xb8;
	[tilespmem:$0x1A400] =	vst v63  }
0x35: {  	s31 =	simm.s32 @!p0 $0xE400;
	_ =	swait.ge @!p0 [sflag:s30], $0x4000  }
0x36: {  	s26 =	sadd.s32 @!p0 s3, s7;
	s29 =	simm.s32 @!p0 $0x0;
	[sflag:s30] =	ssyncset.done @!p0 $0x0  }
0x37: {  	s26 =	sadd.s32 @!p0 $0x1000, s26;
	[sflag:s30] =	ssyncadd.s32 @!p0 $0xFFFFC000;
	s30 =	simm.s32 @!p0 $0x7  }
0x38: {  	[hbm4b:s26+s29] =	stream.linear.scatter @!p0 [tilespmem:s31], [sflag:$0x8], $0x4000, $0x38;
	[tilespmem:$0x1A400] =	vst v63  }
0x39: {  	_ =	swait.ge @!p0 [sflag:s30], $0x4000  }
0x3a: {  	[sflag:s30] =	ssyncset.done @!p0 $0x0  }
0x3b: {  	s26 =	simm.s32 @!p0 $0x300;
	s29 =	simm.s32 @!p0 $0xA400;
	[sflag:s30] =	ssyncadd.s32 @!p0 $0xFFFFC000  }
0x3c: {  	[tilespmem:s29], [sflag:$0x2] =	stream.indirect.gather @!p0 [hbm4b:s2+s28], $0x80, s26, s28, $0xb8;
	[tilespmem:$0x1A400] =	vst v63  }
0x3d: {  	_ =	swait.ge [sflag:s18], $0x4000  }
0x3e: {  	s20 =	rddreg [dreg:$0x5];
	[sflag:s18] =	ssyncset.done $0x0  }
0x3f: {  	s29 =	simm.s32 @!p0 $0x8;
	[sflag:s18] =	ssyncadd.s32 $0xFFFFC000;
	s26 =	sadd.s32 s3, s20  }
0x40: {  	[hbm4b:s26+s4] =	stream.linear.scatter [tilespmem:s14], [sflag:$0x9], $0x4000, $0x38;
	[tilespmem:$0x1A400] =	vst v63  }
0x41: {  	_ =	swait.ge @!p0 [sflag:s29], $0x4000  }
0x42: {  	[sflag:s29] =	ssyncset.done @!p0 $0x0  }
0x43: {  	p6 =	por $0x0, $0x0;
	s26 =	simm.s32 @!p0 $0x380;
	[sflag:s29] =	ssyncadd.s32 @!p0 $0xFFFFC000  }
0x44: {  	[tilespmem:s31], [sflag:$0x3] =	stream.indirect.gather @!p0 [hbm4b:s2+s28], $0x80, s26, s28, $0xb8;
	[tilespmem:$0x1A400] =	vst v63  }
0x45: {  	s30 =	smov.u32 s3;
	s29 =	simm.s32 $0x1400;
	_ =	swait.ge [sflag:s19], $0x4000  }
0x46: {  	s28 =	simm.s32 $0xA00;
	p0 =	por p6, p6;
	[sflag:s19] =	ssyncset.done $0x0  }
0x47: {  	s26 =	sadd.s32 $0x2800, s3;
	s31 =	rddreg [dreg:$0x6];
	[sflag:s19] =	ssyncadd.s32 $0xFFFFC000  }
.LBB2_2:
0x48: {  	s1 =	simm.s32 @!p0 $0x9;
	s30 =	sadd.s32 s30, s31  }
0x49: {  	[hbm4b:s30+s4] =	stream.linear.scatter [tilespmem:s16], [sflag:$0xA], $0x4000, $0x38;
	[tilespmem:$0x1A400] =	vst v63  }
0x4a: {  	_ =	swait.ge @!p0 [sflag:s1], $0x4000  }
0x4b: {  	s0 =	sshra.s32 s28, $0x2;
	[sflag:s1] =	ssyncset.done @!p0 $0x0  }
0x4c: {  	s6 =	sadd.s32 $0x180, s0;
	[sflag:s1] =	ssyncadd.s32 @!p0 $0xFFFFC000  }
0x4d: {  	[tilespmem:s14], [sflag:$0x4] =	stream.indirect.gather [hbm4b:s2+s9], $0x80, s6, s9, $0xb8;
	[tilespmem:$0x1A400] =	vst v63  }
0x4e: {  	_ =	swait.ge [sflag:s15], $0x4000  }
0x4f: {  	[sflag:s15] =	ssyncset.done $0x0  }
0x50: {  	s8 =	sadd.s32 s26, s7;
	s12 =	simm.s32 @!p0 $0xA;
	[sflag:s15] =	ssyncadd.s32 $0xFFFFC000  }
0x51: {  	[hbm4b:s8+s4] =	stream.linear.scatter [tilespmem:s10], [sflag:$0x6], $0x4000, $0x38;
	[tilespmem:$0x1A400] =	vst v63  }
0x52: {  	_ =	swait.ge @!p0 [sflag:s12], $0x4000  }
0x53: {  	[sflag:s12] =	ssyncset.done @!p0 $0x0  }
0x54: {  	s0 =	sadd.s32 $0x200, s0;
	[sflag:s12] =	ssyncadd.s32 @!p0 $0xFFFFC000  }
0x55: {  	[tilespmem:s16], [sflag:$0x5] =	stream.indirect.gather [hbm4b:s2+s9], $0x80, s0, s9, $0xb8;
	[tilespmem:$0x1A400] =	vst v63  }
0x56: {  	p2 =	seq.s32 s29, $0x0;
	_ =	swait.ge [sflag:s17], $0x4000  }
0x57: {  	p0 =	por p2, p2;
	p2 =	seq.s32 s28, $0x18600;
	[sflag:s17] =	ssyncset.done $0x0  }
0x58: {  	s13 =	sadd.s32 $0x800, s8;
	s0 =	simm.s32 @p2 $0x3;
	[sflag:s17] =	ssyncadd.s32 $0xFFFFC000  }
0x59: {  	[hbm4b:s13+s4] =	stream.linear.scatter [tilespmem:s11], [sflag:$0x7], $0x4000, $0x38;
	[tilespmem:$0x1A400] =	vst v63  }
0x5a: {  	_ =	swait.ge @p2 [sflag:s0], $0x4000  }
0x5b: {  	s8 =	simm.s32 @p2 $0xE400;
	s20 =	simm.s32 @!p2 $0x6;
	[sflag:s0] =	ssyncset.done @p2 $0x0  }
0x5c: {  	s5 =	rddreg [dreg:$0x4];
	[sflag:s0] =	ssyncadd.s32 @p2 $0xFFFFC000;
	s0 =	simm.s32 @p2 $0x0  }
0x5d: {  	[hbm4b:s5+s0] =	stream.linear.scatter @p2 [tilespmem:s8], [sflag:$0x8], $0x4000, $0x38;
	[tilespmem:$0x1A400] =	vst v63  }
0x5e: {  	s1 =	sshra.s32 @!p2 s28, $0x2;
	_ =	swait.ge @!p2 [sflag:s20], $0x4000  }
0x5f: {  	s13 =	sadd.s32 @!p2 $0x280, s1;
	s0 =	simm.s32 @!p2 $0x80;
	[sflag:s20] =	ssyncset.done @!p2 $0x0  }
0x60: {  	s5 =	simm.s32 @!p2 $0x6400;
	s8 =	simm.s32 @!p2 $0x3;
	[sflag:s20] =	ssyncadd.s32 @!p2 $0xFFFFC000  }
0x61: {  	[tilespmem:s5], [sflag:$0x1] =	stream.indirect.gather @!p2 [hbm4b:s2+s0], $0x80, s13, s0, $0xb8;
	[tilespmem:$0x1A400] =	vst v63  }
0x62: {  	s12 =	sadd.s32 @!p2 s26, s7;
	_ =	swait.ge @!p2 [sflag:s8], $0x4000  }
0x63: {  	s12 =	sadd.s32 @!p2 $0x1000, s12;
	s5 =	simm.s32 @!p2 $0x0;
	[sflag:s8] =	ssyncset.done @!p2 $0x0  }
0x64: {  	s13 =	simm.s32 @!p2 $0xE400;
	[sflag:s8] =	ssyncadd.s32 @!p2 $0xFFFFC000;
	s8 =	simm.s32 @!p2 $0x7  }
0x65: {  	[hbm4b:s12+s5] =	stream.linear.scatter @!p2 [tilespmem:s13], [sflag:$0x8], $0x4000, $0x38;
	[tilespmem:$0x1A400] =	vst v63  }
0x66: {  	_ =	swait.ge @!p2 [sflag:s8], $0x4000  }
0x67: {  	[sflag:s8] =	ssyncset.done @!p2 $0x0  }
0x68: {  	s6 =	sadd.s32 @!p2 $0x300, s1;
	s5 =	simm.s32 @!p2 $0xA400;
	[sflag:s8] =	ssyncadd.s32 @!p2 $0xFFFFC000  }
0x69: {  	[tilespmem:s5], [sflag:$0x2] =	stream.indirect.gather @!p2 [hbm4b:s2+s0], $0x80, s6, s0, $0xb8;
	[tilespmem:$0x1A400] =	vst v63  }
0x6a: {  	_ =	swait.ge [sflag:s18], $0x4000  }
0x6b: {  	s20 =	rddreg [dreg:$0x5];
	[sflag:s18] =	ssyncset.done $0x0  }
0x6c: {  	s6 =	simm.s32 @!p2 $0x8;
	[sflag:s18] =	ssyncadd.s32 $0xFFFFC000;
	s5 =	sadd.s32 s26, s20  }
0x6d: {  	[hbm4b:s5+s4] =	stream.linear.scatter [tilespmem:s14], [sflag:$0x9], $0x4000, $0x38;
	[tilespmem:$0x1A400] =	vst v63  }
0x6e: {  	s31 =	smov.u32 s29;
	s29 =	sadd.s32 $0xA00, s29;
	_ =	swait.ge @!p2 [sflag:s6], $0x4000  }
0x6f: {  	p1 =	sne.s32 s29, $0x19000;
	[sflag:s6] =	ssyncset.done @!p2 $0x0  }
.Ltmp0:
0x70: {  	s1 =	sadd.s32 @!p2 $0x380, s1;
	[sflag:s6] =	ssyncadd.s32 @!p2 $0xFFFFC000;
	(pc) =	sbr.rel @p1 .LBB2_2-.Ltmp0, $4  }
0x71: {  	[tilespmem:s13], [sflag:$0x3] =	stream.indirect.gather @!p2 [hbm4b:s2+s0], $0x80, s1, s0, $0xb8;
	[tilespmem:$0x1A400] =	vst v63  }
0x72: {  	_ =	swait.ge [sflag:s19], $0x4000  }
0x73: {  	s30 =	smov.u32 s26;
	s28 =	smov.u32 s31;
	[sflag:s19] =	ssyncset.done $0x0  }
0x74: {  	s26 =	sadd.s32 $0x2800, s26;
	s31 =	rddreg [dreg:$0x6];
	[sflag:s19] =	ssyncadd.s32 $0xFFFFC000  }
0x75: {  	s0 =	simm.s32 @!p0 $0x9;
	s1 =	sadd.s32 s30, s31  }
0x76: {  	[hbm4b:s1+s4] =	stream.linear.scatter [tilespmem:s16], [sflag:$0xA], $0x4000, $0x38;
	[tilespmem:$0x1A400] =	vst v63  }
0x77: {  	_ =	swait.ge @!p0 [sflag:s0], $0x4000  }
0x78: {  	s12 =	sshra.s32 s28, $0x2;
	[sflag:s0] =	ssyncset.done @!p0 $0x0  }
0x79: {  	s13 =	sadd.s32 $0x180, s12;
	[sflag:s0] =	ssyncadd.s32 @!p0 $0xFFFFC000  }
0x7a: {  	[tilespmem:s14], [sflag:$0x4] =	stream.indirect.gather [hbm4b:s2+s9], $0x80, s13, s9, $0xb8;
	[tilespmem:$0x1A400] =	vst v63  }
0x7b: {  	_ =	swait.ge [sflag:s15], $0x4000  }
0x7c: {  	[sflag:s15] =	ssyncset.done $0x0  }
0x7d: {  	s20 =	sadd.s32 s26, s7;
	s5 =	simm.s32 @!p0 $0xA;
	[sflag:s15] =	ssyncadd.s32 $0xFFFFC000  }
0x7e: {  	[hbm4b:s20+s4] =	stream.linear.scatter [tilespmem:s10], [sflag:$0x6], $0x4000, $0x38;
	[tilespmem:$0x1A400] =	vst v63  }
0x7f: {  	_ =	swait.ge @!p0 [sflag:s5], $0x4000  }
0x80: {  	[sflag:s5] =	ssyncset.done @!p0 $0x0  }
0x81: {  	s1 =	sadd.s32 $0x200, s12;
	[sflag:s5] =	ssyncadd.s32 @!p0 $0xFFFFC000  }
0x82: {  	[tilespmem:s16], [sflag:$0x5] =	stream.indirect.gather [hbm4b:s2+s9], $0x80, s1, s9, $0xb8;
	[tilespmem:$0x1A400] =	vst v63  }
0x83: {  	_ =	swait.ge [sflag:s17], $0x4000  }
0x84: {  	[sflag:s17] =	ssyncset.done $0x0  }
0x85: {  	s0 =	sadd.s32 $0x800, s20;
	p0 =	seq.s32 s28, $0x18600;
	[sflag:s17] =	ssyncadd.s32 $0xFFFFC000  }
0x86: {  	[hbm4b:s0+s4] =	stream.linear.scatter [tilespmem:s11], [sflag:$0x7], $0x4000, $0x38;
	[tilespmem:$0x1A400] =	vst v63  }
0x87: {  	s0 =	simm.s32 @p0 $0x3  }
0x88: {  	_ =	swait.ge @p0 [sflag:s0], $0x4000  }
0x89: {  	s5 =	simm.s32 @p0 $0xE400;
	s6 =	simm.s32 @!p0 $0x6;
	[sflag:s0] =	ssyncset.done @p0 $0x0  }
0x8a: {  	s1 =	rddreg [dreg:$0x4];
	[sflag:s0] =	ssyncadd.s32 @p0 $0xFFFFC000;
	s0 =	simm.s32 @p0 $0x0  }
0x8b: {  	[hbm4b:s1+s0] =	stream.linear.scatter @p0 [tilespmem:s5], [sflag:$0x8], $0x4000, $0x38;
	[tilespmem:$0x1A400] =	vst v63  }
0x8c: {  	s8 =	simm.s32 @!p0 $0x6400;
	_ =	swait.ge @!p0 [sflag:s6], $0x4000  }
0x8d: {  	s0 =	sshra.s32 @!p0 s28, $0x2;
	s5 =	simm.s32 @!p0 $0x80;
	[sflag:s6] =	ssyncset.done @!p0 $0x0  }
0x8e: {  	s1 =	sadd.s32 @!p0 $0x280, s0;
	[sflag:s6] =	ssyncadd.s32 @!p0 $0xFFFFC000;
	s6 =	simm.s32 @!p0 $0x3  }
0x8f: {  	[tilespmem:s8], [sflag:$0x1] =	stream.indirect.gather @!p0 [hbm4b:s2+s5], $0x80, s1, s5, $0xb8;
	[tilespmem:$0x1A400] =	vst v63  }
0x90: {  	_ =	swait.ge @!p0 [sflag:s6], $0x4000  }
0x91: {  	s1 =	sadd.s32 @!p0 s26, s7;
	s8 =	simm.s32 @!p0 $0x0;
	[sflag:s6] =	ssyncset.done @!p0 $0x0  }
0x92: {  	s1 =	sadd.s32 @!p0 $0x1000, s1;
	[sflag:s6] =	ssyncadd.s32 @!p0 $0xFFFFC000;
	s6 =	simm.s32 @!p0 $0xE400  }
0x93: {  	[hbm4b:s1+s8] =	stream.linear.scatter @!p0 [tilespmem:s6], [sflag:$0x8], $0x4000, $0x38;
	[tilespmem:$0x1A400] =	vst v63  }
0x94: {  	s1 =	simm.s32 @!p0 $0x7  }
0x95: {  	_ =	swait.ge @!p0 [sflag:s1], $0x4000  }
0x96: {  	[sflag:s1] =	ssyncset.done @!p0 $0x0  }
0x97: {  	s8 =	sadd.s32 @!p0 $0x300, s0;
	[sflag:s1] =	ssyncadd.s32 @!p0 $0xFFFFC000;
	s1 =	simm.s32 @!p0 $0xA400  }
0x98: {  	[tilespmem:s1], [sflag:$0x2] =	stream.indirect.gather @!p0 [hbm4b:s2+s5], $0x80, s8, s5, $0xb8;
	[tilespmem:$0x1A400] =	vst v63  }
0x99: {  	_ =	swait.ge [sflag:s18], $0x4000  }
0x9a: {  	s28 =	rddreg [dreg:$0x5];
	[sflag:s18] =	ssyncset.done $0x0  }
0x9b: {  	[sflag:s18] =	ssyncadd.s32 $0xFFFFC000;
	s1 =	sadd.s32 s26, s28  }
0x9c: {  	[hbm4b:s1+s4] =	stream.linear.scatter [tilespmem:s14], [sflag:$0x9], $0x4000, $0x38;
	[tilespmem:$0x1A400] =	vst v63  }
0x9d: {  	s1 =	simm.s32 @!p0 $0x8  }
0x9e: {  	_ =	swait.ge @!p0 [sflag:s1], $0x4000  }
0x9f: {  	[sflag:s1] =	ssyncset.done @!p0 $0x0  }
0xa0: {  	s0 =	sadd.s32 @!p0 $0x380, s0;
	[sflag:s1] =	ssyncadd.s32 @!p0 $0xFFFFC000  }
0xa1: {  	[tilespmem:s6], [sflag:$0x3] =	stream.indirect.gather @!p0 [hbm4b:s2+s5], $0x80, s0, s5, $0xb8;
	[tilespmem:$0x1A400] =	vst v63  }
0xa2: {  	_ =	swait.ge [sflag:s19], $0x4000  }
0xa3: {  	s29 =	rddreg [dreg:$0x6];
	[sflag:s19] =	ssyncset.done $0x0  }
0xa4: {  	s30 =	simm.s32 $0x6;
	s0 =	sadd.s32 s26, s29;
	[sflag:s19] =	ssyncadd.s32 $0xFFFFC000  }
0xa5: {  	[hbm4b:s0+s4] =	stream.linear.scatter [tilespmem:s16], [sflag:$0xA], $0x4000, $0x38;
	[tilespmem:$0x1A400] =	vst v63  }
0xa6: {  	_ =	swait.ge [sflag:s30], $0x4000  }
0xa7: {  	[sflag:s30] =	ssyncset.done $0x0  }
0xa8: {  	[sflag:s30] =	ssyncadd.s32 $0xFFFFC000  }
0xa9: {  	_ =	swait.ge [sflag:s21], $0x4000  }
0xaa: {  	[sflag:s21] =	ssyncset.done $0x0  }
0xab: {  	[sflag:s21] =	ssyncadd.s32 $0xFFFFC000  }
0xac: {  	_ =	swait.ge [sflag:s22], $0x4000  }
0xad: {  	[sflag:s22] =	ssyncset.done $0x0  }
0xae: {  	[sflag:s22] =	ssyncadd.s32 $0xFFFFC000  }
0xaf: {  	_ =	swait.ge [sflag:s23], $0x4000  }
0xb0: {  	[sflag:s23] =	ssyncset.done $0x0  }
0xb1: {  	[sflag:s23] =	ssyncadd.s32 $0xFFFFC000  }
0xb2: {  	_ =	swait.ge [sflag:s24], $0x4000  }
0xb3: {  	s25 =	sadd.s32 $0x1, s25;
	s31 =	rddreg [dreg:$0x8]  }
0xb4: {  	p0 =	sne.s32 s25, s31  }
.Ltmp1:
0xb5: {  	_ = 	snop;
	(pc) =	sbr.rel @p0 .LBB2_1-.Ltmp1, $3  }
0xb6: {  	_ =	sdelay $0x1  }
0xb7: {  	[sflag:s24] =	ssyncset.done $0x0  }
0xb8: {  	[sflag:s24] =	ssyncadd.s32 $0xFFFFC000  }
0xb9: {  	_ =	sfence.sel $0x180000  }
0xba: {  	[bflag:$0x0] =	sbarrier.arrive $0xFFFF  }
0xbb: {  	_ =	strace $0x90000047  }
0xbc: {  	s0 =	stileid.u32;
	[bflag:$0x2] =	sbarrier.arrive $0xFFFF  }
0xbd: {  	p0 =	sne.s32 s0, $0x0;
	s0 =	rddreg [dreg:$0x3]  }
0xbe: {  	s0 =	sadd.s32 @!p0 $0x100000, s0  }
0xbf: {  	[sflag:s0] =	ssyncadd.tile.s32 @!p0 $0x1;
	_ =	shalt  }
.Lfunc_end2:
_tile_overlayer_lowered:
.L_overlay_start_2:
0xc0: {  	(tag) =	ssettag $0x2  }
0xc1: {  	s0 =	rddreg [dreg:$0x0];
	s2 =	stileid.u32  }
0xc2: {  	s1 =	rddreg [dreg:$0x1];
	p0 =	sne.s32 s2, $0x0  }
0xc3: {  	s3 =	rddreg [dreg:$0x2];
	[bflag:$0x3] =	sbarrier.arrive $0xFFFF;
	s2 =	simm.s32 @!p0 $0x1C0B  }
0xc4: {  	[timem:s3], [sflag:s2] =	dma.local @!p0 [hbm:s0], s1  }
0xc5: {  	s0 =	simm.s32 @!p0 $0xB  }
0xc6: {  	_ =	swait.ge @!p0 [sflag:s0], s1  }
0xc7: {  	s1 =	ssub.s32 @!p0 $0x0, s1;
	[sflag:s0] =	ssyncset.done @!p0 $0x0  }
0xc8: {  	[sflag:s0] =	ssyncadd.s32 @!p0 s1  }
0xc9: {  	[bflag:$0x3] =	sbarrier.arrive $0xFFFF  }
0xca: {  	_ =	shalt  }

</sc_bundles>
